<compile_context>
chip_gen: v7x
topology: tpu7x:2x2x1
jax: 0.10.2.dev20260603
libtpu: 0.0.44.dev20260713+nightly
codegen_flags: <defaults>
</compile_context>

<pallas_src>
import functools

import jax
import jax.numpy as jnp
from jax import lax
from jax.experimental import pallas as pl
from jax.experimental.pallas import tpu as pltpu
from jax.experimental.pallas import tpu_sc as plsc

MEMN = 500
PAD = 512
LD = 20
DW = 256
FLAT = 3 * 224 * 224
NEG = -3.0e38
POS = 3.0e38

NCHUNK = 24
CHW = FLAT // NCHUNK
TROWS = MEMN * NCHUNK
NWORK = 32
WROWS = 376
G = 8


def _small_body(a_ref, at_ref, b_ref, din_ref, nrow_ref,
                dout_ref, sidx_ref, idxf_ref, cond_ref):
    a = a_ref[...]
    b = b_ref[...]
    key_col = jnp.max(a, axis=1, keepdims=True)
    key_row = jnp.max(at_ref[...], axis=0, keepdims=True)
    ii = lax.broadcasted_iota(jnp.int32, (PAD, PAD), 0)
    jj = lax.broadcasted_iota(jnp.int32, (PAD, PAD), 1)
    before = (key_row < key_col) | ((key_row == key_col) & (jj < ii))
    rank_col = jnp.sum(before.astype(jnp.int32), axis=1, keepdims=True)
    beforeT = (key_col < key_row) | ((key_col == key_row) & (ii < jj))
    rank_row = jnp.sum(beforeT.astype(jnp.int32), axis=0, keepdims=True)

    riota_col = lax.broadcasted_iota(jnp.int32, (PAD, 1), 0)
    onehot = rank_row == riota_col
    sidx_col = jnp.sum(jnp.where(onehot, jj, 0), axis=1, keepdims=True)

    dout = jnp.dot(onehot.astype(jnp.float32), din_ref[...],
                   preferred_element_type=jnp.float32,
                   precision=lax.Precision.HIGHEST)

    a_last = jnp.sum(jnp.where(riota_col == MEMN - 1, sidx_col, 0))
    b_last = jnp.sum(jnp.where(riota_col == a_last, sidx_col, 0))
    rows2 = lax.broadcasted_iota(jnp.int32, (PAD, 32), 0)
    thr_s = jnp.max(jnp.where(rows2 == b_last, a, NEG))
    thr_t = jnp.max(jnp.where(rows2 == b_last, b, NEG))
    nrow = nrow_ref[...]
    cols1 = lax.broadcasted_iota(jnp.int32, (1, DW), 1)
    new_s = jnp.max(jnp.where(cols1 < LD, nrow, NEG))
    new_t = jnp.max(jnp.where((cols1 >= LD) & (cols1 < 2 * LD), nrow, NEG))
    cond = (new_s >= thr_s) & ((new_s > thr_s) | (new_t > thr_t))

    lastrow = (lax.broadcasted_iota(jnp.int32, (PAD, DW), 0) == MEMN - 1) & cond
    dout_ref[...] = jnp.where(lastrow, jnp.broadcast_to(nrow, (PAD, DW)), dout)
    sidx_ref[...] = sidx_col
    ccols = lax.broadcasted_iota(jnp.int32, (PAD, NCHUNK), 1)
    idxf_ref[...] = sidx_col * NCHUNK + ccols
    cond_ref[...] = jnp.full((1, 1), cond.astype(jnp.int32))


def _sc_permute_body(tbl, idxh, out, idx_v, b0, b1,
                     gsem0, gsem1, ssem0, ssem1):
    wid = lax.axis_index("s") * 2 + lax.axis_index("c")
    base = wid * WROWS
    nrows = jnp.minimum(WROWS, TROWS - base)
    ng = nrows // G
    npairs = (ng - 1) // 2
    pltpu.sync_copy(idxh.at[pl.ds(base, WROWS)], idx_v)

    def g_cp(g, buf, sem):
        return pltpu.make_async_copy(tbl.at[idx_v.at[pl.ds(g * G, G)]], buf, sem)

    def o_cp(g, buf, sem):
        return pltpu.make_async_copy(buf, out.at[pl.ds(base + g * G, G)], sem)

    g_cp(0, b0, gsem0).start()

    def pair(p, carry):
        g0 = 2 * p
        g_cp(g0, b0, gsem0).wait()

        @pl.when(p > 0)
        def _():
            o_cp(g0 - 1, b1, ssem1).wait()

        g_cp(g0 + 1, b1, gsem1).start()
        o_cp(g0, b0, ssem0).start()
        g_cp(g0 + 1, b1, gsem1).wait()
        o_cp(g0, b0, ssem0).wait()
        g_cp(g0 + 2, b0, gsem0).start()
        o_cp(g0 + 1, b1, ssem1).start()
        return carry

    lax.fori_loop(0, npairs, pair, 0)
    g_cp(ng - 1, b0, gsem0).wait()
    o_cp(ng - 2, b1, ssem1).wait()
    o_cp(ng - 1, b0, ssem0).start()
    o_cp(ng - 1, b0, ssem0).wait()


def _sc_permute(tbl, idxp):
    mesh = plsc.VectorSubcoreMesh(core_axis_name="c", subcore_axis_name="s")
    return pl.kernel(
        _sc_permute_body,
        out_type=jax.ShapeDtypeStruct((TROWS, CHW), jnp.float32),
        mesh=mesh,
        scratch_types=[
            pltpu.VMEM((WROWS,), jnp.int32),
            pltpu.VMEM((G, CHW), jnp.float32),
            pltpu.VMEM((G, CHW), jnp.float32),
            pltpu.SemaphoreType.DMA,
            pltpu.SemaphoreType.DMA,
            pltpu.SemaphoreType.DMA,
            pltpu.SemaphoreType.DMA,
        ],
    )(tbl, idxp)


def _fix_body(so_ref, to_ref, ns_ref, nt_ref, cond_ref, os_ref, ot_ref):
    take = cond_ref[0, 0] == 1
    os_ref[...] = jnp.where(take, ns_ref[...], so_ref[...])
    ot_ref[...] = jnp.where(take, nt_ref[...], to_ref[...])


def kernel(source_memory, target_memory, label_memory,
           injection_source_logits, injection_target_logits,
           accumulator_source_logits, accumulator_target_logits,
           source, target, label,
           injection_source_logit, injection_target_logit,
           accumulator_source_logit, accumulator_target_logit):
    f32 = jnp.float32
    a = jnp.full((PAD, 32), NEG, f32)
    a = a.at[:MEMN, :LD].set(injection_source_logits)
    a = a.at[MEMN:, :].set(POS)
    at = jnp.full((32, PAD), NEG, f32)
    at = at.at[:LD, :MEMN].set(injection_source_logits.T)
    at = at.at[:, MEMN:].set(POS)
    b = jnp.full((PAD, 32), NEG, f32)
    b = b.at[:MEMN, :LD].set(injection_target_logits)

    din = jnp.zeros((PAD, DW), f32)
    din = din.at[:MEMN, 0:LD].set(injection_source_logits)
    din = din.at[:MEMN, LD:2 * LD].set(injection_target_logits)
    din = din.at[:MEMN, 40:140].set(accumulator_source_logits)
    din = din.at[:MEMN, 140:240].set(accumulator_target_logits)
    din = din.at[:MEMN, 240].set(label_memory.astype(f32))

    nrow = jnp.zeros((1, DW), f32)
    nrow = nrow.at[0, 0:LD].set(injection_source_logit)
    nrow = nrow.at[0, LD:2 * LD].set(injection_target_logit)
    nrow = nrow.at[0, 40:140].set(accumulator_source_logit)
    nrow = nrow.at[0, 140:240].set(accumulator_target_logit)
    nrow = nrow.at[0, 240].set(label[0].astype(f32))

    dout, sidx2, idxf, cond2 = pl.pallas_call(
        _small_body,
        out_shape=(
            jax.ShapeDtypeStruct((PAD, DW), f32),
            jax.ShapeDtypeStruct((PAD, 1), jnp.int32),
            jax.ShapeDtypeStruct((PAD, NCHUNK), jnp.int32),
            jax.ShapeDtypeStruct((1, 1), jnp.int32),
        ),
    )(a, at, b, din, nrow)

    idxp = jnp.pad(idxf[:MEMN, :NCHUNK].reshape(TROWS), (0, NWORK * WROWS - TROWS))

    src_flat = source_memory.reshape(TROWS, CHW)
    tgt_flat = target_memory.reshape(TROWS, CHW)

    so = _sc_permute(src_flat, idxp)
    to = _sc_permute(tgt_flat, idxp)

    sl = FLAT // 128
    so3 = so.reshape(MEMN, sl, 128)
    to3 = to.reshape(MEMN, sl, 128)
    last = pl.BlockSpec((1, sl, 128), lambda i: (MEMN - 1, 0, 0))
    first = pl.BlockSpec((1, sl, 128), lambda i: (0, 0, 0))
    so3, to3 = pl.pallas_call(
        _fix_body,
        grid=(1,),
        in_specs=[last, last, first, first,
                  pl.BlockSpec((1, 1), lambda i: (0, 0))],
        out_specs=[last, last],
        out_shape=(
            jax.ShapeDtypeStruct((MEMN, sl, 128), f32),
            jax.ShapeDtypeStruct((MEMN, sl, 128), f32),
        ),
        input_output_aliases={0: 0, 1: 1},
    )(so3, to3, source.reshape(1, sl, 128), target.reshape(1, sl, 128), cond2)

    s = so3.reshape(MEMN, 3, 224, 224)
    t = to3.reshape(MEMN, 3, 224, 224)
    y = dout[:MEMN, 240].astype(jnp.int32)
    ils = dout[:MEMN, 0:LD]
    ilt = dout[:MEMN, LD:2 * LD]
    als = dout[:MEMN, 40:140]
    alt = dout[:MEMN, 140:240]
    return (s, t, y, ils, ilt, als, alt)

# --- scband reference (transcript-rebuilt; emitter-appended) ---
"""Pipeline reference for scband-rehearsal-memory-manager-43585328119958 (READ-ONLY COPY).

The authoritative reference and input builder live on the scoring server;
editing this copy changes nothing except your own understanding.
"""

import jax, jax.numpy as jnp
import numpy as np

MEM = 500
CH = 3
IMG = 224
NC = 100
TASKS = 5
LOGIT_DIM = NC // TASKS


def setup_inputs(seed: int = 0) -> dict:
    key = jax.random.key(seed)
    ks = jax.random.split(key, 14)
    return {
        "source_memory": jax.random.normal(ks[0], (MEM, CH, IMG, IMG), dtype=jnp.float32),
        "target_memory": jax.random.normal(ks[1], (MEM, CH, IMG, IMG), dtype=jnp.float32),
        "label_memory": jax.random.randint(ks[2], (MEM,), 0, NC, dtype=jnp.int32),
        "injection_source_logits": jax.random.normal(ks[3], (MEM, LOGIT_DIM), dtype=jnp.float32),
        "injection_target_logits": jax.random.normal(ks[4], (MEM, LOGIT_DIM), dtype=jnp.float32),
        "accumulator_source_logits": jax.random.normal(ks[5], (MEM, NC), dtype=jnp.float32),
        "accumulator_target_logits": jax.random.normal(ks[6], (MEM, NC), dtype=jnp.float32),
        "source": jax.random.normal(ks[7], (CH, IMG, IMG), dtype=jnp.float32),
        "target": jax.random.normal(ks[8], (CH, IMG, IMG), dtype=jnp.float32),
        "label": jax.random.randint(ks[9], (1,), 0, NC, dtype=jnp.int32),
        "injection_source_logit": jax.random.normal(ks[10], (LOGIT_DIM,), dtype=jnp.float32),
        "injection_target_logit": jax.random.normal(ks[11], (LOGIT_DIM,), dtype=jnp.float32),
        "accumulator_source_logit": jax.random.normal(ks[12], (NC,), dtype=jnp.float32),
        "accumulator_target_logit": jax.random.normal(ks[13], (NC,), dtype=jnp.float32),
    }


def reference(source_memory, target_memory, label_memory,
              injection_source_logits, injection_target_logits,
              accumulator_source_logits, accumulator_target_logits,
              source, target, label,
              injection_source_logit, injection_target_logit,
              accumulator_source_logit, accumulator_target_logit):
    # Faithful jax translation of add_sample() in the steady state
    # (counter >= memory_size_per_task, n_tasks=1 so the task slice is the whole buffer).
    # sort_indeces = injection_source_logits.max(1)[0].sort()[1]
    sort_idx = jnp.argsort(jnp.max(injection_source_logits, axis=1))
    s = jnp.take(source_memory, sort_idx, axis=0)
    t = jnp.take(target_memory, sort_idx, axis=0)
    y = jnp.take(label_memory, sort_idx, axis=0)
    ils = jnp.take(injection_source_logits, sort_idx, axis=0)
    ilt = jnp.take(injection_target_logits, sort_idx, axis=0)
    als = jnp.take(accumulator_source_logits, sort_idx, axis=0)
    alt = jnp.take(accumulator_target_logits, sort_idx, axis=0)
    # original code double-indexes: ils[sort_indeces][-1] -- replicate faithfully
    thr_s = jnp.max(jnp.take(ils, sort_idx, axis=0)[-1])
    thr_t = jnp.max(jnp.take(ilt, sort_idx, axis=0)[-1])
    new_s = jnp.max(injection_source_logit)
    new_t = jnp.max(injection_target_logit)
    cond = jnp.logical_and(new_s >= thr_s, jnp.logical_or(new_s > thr_s, new_t > thr_t))
    # conditional scatter-overwrite of the lowest-priority slot (last after ascending sort)
    s = s.at[-1].set(jnp.where(cond, source, s[-1]))
    t = t.at[-1].set(jnp.where(cond, target, t[-1]))
    y = y.at[-1].set(jnp.where(cond, label[0], y[-1]))
    ils = ils.at[-1].set(jnp.where(cond, injection_source_logit, ils[-1]))
    ilt = ilt.at[-1].set(jnp.where(cond, injection_target_logit, ilt[-1]))
    als = als.at[-1].set(jnp.where(cond, accumulator_source_logit, als[-1]))
    alt = alt.at[-1].set(jnp.where(cond, accumulator_target_logit, alt[-1]))
    # write-back of the full task slice == the permuted/updated buffers
    return (s, t, y, ils, ilt, als, alt)

if __name__ == "__main__":
    import jax
    _d = setup_inputs()
    print(jax.jit(kernel)(*tuple(_d.values())))

</pallas_src>

<mosaic_0001>
#map = affine_map<(d0, d1) -> (0, 0)>
#map1 = affine_map<(d0, d1) -> (0)>
module attributes {stable_mosaic.version = 14 : i64} {
  func.func @_sc_permute_body(%arg0: i32, %arg1: i32, %arg2: memref<12000x6272xf32, #tpu.memory_space<hbm>>, %arg3: memref<12032xi32, #tpu.memory_space<hbm>>, %arg4: memref<12000x6272xf32, #tpu.memory_space<hbm>>, %arg5: memref<376xi32, #tpu.memory_space<vmem>>, %arg6: memref<8x6272xf32, #tpu.memory_space<vmem>>, %arg7: memref<8x6272xf32, #tpu.memory_space<vmem>>, %arg8: memref<!tpu.dma_semaphore, #tpu.memory_space<semaphore_mem>>, %arg9: memref<!tpu.dma_semaphore, #tpu.memory_space<semaphore_mem>>, %arg10: memref<!tpu.dma_semaphore, #tpu.memory_space<semaphore_mem>>, %arg11: memref<!tpu.dma_semaphore, #tpu.memory_space<semaphore_mem>>) attributes {dimension_semantics = [#tpu.dimension_semantics<core_parallel>, #tpu.dimension_semantics<subcore_parallel>], iteration_bounds = array<i64: 2, 16>, scalar_prefetch = 0 : i64, scratch_operands = 7 : i64, tpu.core_type = #tpu.core_type<sc_vector_subcore>, window_params = [{transform_indices = #map}, {transform_indices = #map1}, {transform_indices = #map}]} {
    %mul3A = arith.constant 2 : i32
    %mul3A_0 = arith.muli %arg1, %mul3A : i32
    %add3A = arith.addi %mul3A_0, %arg0 : i32
    %mul3A_1 = arith.constant 376 : i32
    %mul3A_2 = arith.muli %add3A, %mul3A_1 : i32
    %sub3A = arith.constant 12000 : i32
    %sub3A_3 = arith.subi %sub3A, %mul3A_2 : i32
    %min3A = arith.constant 376 : i32
    %min3A_4 = arith.minsi %min3A, %sub3A_3 : i32
    %jit3A = arith.constant 8 : i32
    %div3A = arith.divsi %min3A_4, %jit3A : i32
    %sign3A = arith.constant 0 : i32
    %sign3A_5 = arith.cmpi sgt, %min3A_4, %sign3A : i32
    %sign3A_6 = arith.extui %sign3A_5 : i1 to i32
    %sign3A_7 = arith.constant 0 : i32
    %sign3A_8 = arith.cmpi slt, %min3A_4, %sign3A_7 : i32
    %sign3A_9 = arith.extui %sign3A_8 : i1 to i32
    %sign3A_10 = arith.subi %sign3A_6, %sign3A_9 : i32
    %sign3A_11 = arith.constant 0 : i32
    %sign3A_12 = arith.cmpi sgt, %jit3A, %sign3A_11 : i32
    %sign3A_13 = arith.extui %sign3A_12 : i1 to i32
    %sign3A_14 = arith.constant 0 : i32
    %sign3A_15 = arith.cmpi slt, %jit3A, %sign3A_14 : i32
    %sign3A_16 = arith.extui %sign3A_15 : i1 to i32
    %sign3A_17 = arith.subi %sign3A_13, %sign3A_16 : i32
    %ne3A = arith.cmpi ne, %sign3A_10, %sign3A_17 : i32
    %rem3A = arith.remsi %min3A_4, %jit3A : i32
    %ne3A_18 = arith.constant 0 : i32
    %ne3A_19 = arith.cmpi ne, %rem3A, %ne3A_18 : i32
    %and3A = arith.andi %ne3A, %ne3A_19 : i1
    %sub3A_20 = arith.constant 1 : i32
    %sub3A_21 = arith.subi %div3A, %sub3A_20 : i32
    %select_n3A = arith.select %and3A, %sub3A_21, %div3A : i32
    %sub3A_22 = arith.constant 1 : i32
    %sub3A_23 = arith.subi %select_n3A, %sub3A_22 : i32
    %jit3A_24 = arith.constant 2 : i32
    %div3A_25 = arith.divsi %sub3A_23, %jit3A_24 : i32
    %sign3A_26 = arith.constant 0 : i32
    %sign3A_27 = arith.cmpi sgt, %sub3A_23, %sign3A_26 : i32
    %sign3A_28 = arith.extui %sign3A_27 : i1 to i32
    %sign3A_29 = arith.constant 0 : i32
    %sign3A_30 = arith.cmpi slt, %sub3A_23, %sign3A_29 : i32
    %sign3A_31 = arith.extui %sign3A_30 : i1 to i32
    %sign3A_32 = arith.subi %sign3A_28, %sign3A_31 : i32
    %sign3A_33 = arith.constant 0 : i32
    %sign3A_34 = arith.cmpi sgt, %jit3A_24, %sign3A_33 : i32
    %sign3A_35 = arith.extui %sign3A_34 : i1 to i32
    %sign3A_36 = arith.constant 0 : i32
    %sign3A_37 = arith.cmpi slt, %jit3A_24, %sign3A_36 : i32
    %sign3A_38 = arith.extui %sign3A_37 : i1 to i32
    %sign3A_39 = arith.subi %sign3A_35, %sign3A_38 : i32
    %ne3A_40 = arith.cmpi ne, %sign3A_32, %sign3A_39 : i32
    %rem3A_41 = arith.remsi %sub3A_23, %jit3A_24 : i32
    %ne3A_42 = arith.constant 0 : i32
    %ne3A_43 = arith.cmpi ne, %rem3A_41, %ne3A_42 : i32
    %and3A_44 = arith.andi %ne3A_40, %ne3A_43 : i1
    %sub3A_45 = arith.constant 1 : i32
    %sub3A_46 = arith.subi %div3A_25, %sub3A_45 : i32
    %select_n3A_47 = arith.select %and3A_44, %sub3A_46, %div3A_25 : i32
    "tpu.region"() ({
      %run_scoped3A = tpu.sem_alloc : memref<!tpu.dma_semaphore, #tpu.memory_space<semaphore_mem>>
      %dma_start3A_95 = tpu.memref_slice %arg3[%mul3A_2] : memref<12032xi32, #tpu.memory_space<hbm>> -> memref<376xi32, #tpu.memory_space<hbm>>
      %dma_start3A_96 = tpu.memref_slice %arg3[%mul3A_2] : memref<12032xi32, #tpu.memory_space<hbm>> -> memref<376xi32, #tpu.memory_space<hbm>>
      tpu.enqueue_dma source(%dma_start3A_96 : memref<376xi32, #tpu.memory_space<hbm>>) target(%arg5 : memref<376xi32, #tpu.memory_space<vmem>>) target_semaphore(%run_scoped3A : memref<!tpu.dma_semaphore, #tpu.memory_space<semaphore_mem>>)
      %dma_wait3A_97 = tpu.memref_slice %arg3[%mul3A_2] : memref<12032xi32, #tpu.memory_space<hbm>> -> memref<376xi32, #tpu.memory_space<hbm>>
      %dma_wait3A_98 = tpu.memref_slice %arg3[%mul3A_2] : memref<12032xi32, #tpu.memory_space<hbm>> -> memref<376xi32, #tpu.memory_space<hbm>>
      tpu.wait_dma2 semaphore(%run_scoped3A : memref<!tpu.dma_semaphore, #tpu.memory_space<semaphore_mem>>) src(%dma_wait3A_98 : memref<376xi32, #tpu.memory_space<hbm>>) dst(%arg5 : memref<376xi32, #tpu.memory_space<vmem>>)
      tpu.yield
    }) : () -> ()
    %dma_start3A = arith.constant 0 : i32
    %dma_start3A_48 = tpu.memref_slice %arg5[%dma_start3A] : memref<376xi32, #tpu.memory_space<vmem>> -> memref<8xi32, #tpu.memory_space<vmem>>
    %dma_start3A_49 = arith.constant 0 : i32
    %dma_start3A_50 = arith.constant 0 : i32
    %dma_start3A_51 = tpu.memref_slice %arg2[%dma_start3A_49, %dma_start3A_50] : memref<12000x6272xf32, #tpu.memory_space<hbm>> -> memref<12000x6272xf32, #tpu.memory_space<hbm>>
    tpu.enqueue_indirect_dma source(%dma_start3A_51 : memref<12000x6272xf32, #tpu.memory_space<hbm>>) target(%arg6 : memref<8x6272xf32, #tpu.memory_space<vmem>>) offsets(%dma_start3A_48 : memref<8xi32, #tpu.memory_space<vmem>>) semaphore(%arg8 : memref<!tpu.dma_semaphore, #tpu.memory_space<semaphore_mem>>)
    %while3A = arith.constant 0 : i32
    %while3A_52 = arith.constant 0 : i32
    %while3A_53 = arith.subi %select_n3A_47, %while3A_52 : i32
    %while3A_54 = arith.addi %while3A_52, %while3A_53 : i32
    %while3A_55 = arith.constant 1 : i32
    %while3A_56 = arith.divsi %while3A_53, %while3A_55 : i32
    %while3A_57 = arith.muli %while3A_56, %while3A_55 : i32
    %while3A_58 = arith.addi %while3A_52, %while3A_57 : i32
    %while3A_59 = arith.constant 1 : i32
    scf.for %while3A_95 = %while3A_52 to %while3A_58 step %while3A_59  : i32 {
      %mul3A_96 = arith.constant 2 : i32
      %mul3A_97 = arith.muli %mul3A_96, %while3A_95 : i32
      %mul3A_98 = arith.constant 8 : i32
      %mul3A_99 = arith.muli %mul3A_97, %mul3A_98 : i32
      %dma_wait3A_100 = tpu.memref_slice %arg5[%mul3A_99] : memref<376xi32, #tpu.memory_space<vmem>> -> memref<8xi32, #tpu.memory_space<vmem>>
      %dma_wait3A_101 = arith.constant 0 : i32
      %dma_wait3A_102 = arith.constant 0 : i32
      %dma_wait3A_103 = tpu.memref_slice %arg2[%dma_wait3A_101, %dma_wait3A_102] : memref<12000x6272xf32, #tpu.memory_space<hbm>> -> memref<12000x6272xf32, #tpu.memory_space<hbm>>
      tpu.wait_indirect_dma semaphore(%arg8 : memref<!tpu.dma_semaphore, #tpu.memory_space<semaphore_mem>>) src(%dma_wait3A_103 : memref<12000x6272xf32, #tpu.memory_space<hbm>>) dst(%arg6 : memref<8x6272xf32, #tpu.memory_space<vmem>>)
      %gt3A = arith.constant 0 : i32
      %gt3A_104 = arith.cmpi sgt, %while3A_95, %gt3A : i32
      %convert_element_type3A = arith.extui %gt3A_104 : i1 to i32
      %cond3A = arith.constant 0 : i32
      %cond3A_105 = arith.cmpi ne, %convert_element_type3A, %cond3A : i32
      scf.if %cond3A_105 {
        %sub3A_153 = arith.constant 1 : i32
        %sub3A_154 = arith.subi %mul3A_97, %sub3A_153 : i32
        %mul3A_155 = arith.constant 8 : i32
        %mul3A_156 = arith.muli %sub3A_154, %mul3A_155 : i32
        %add3A_157 = arith.addi %mul3A_2, %mul3A_156 : i32
        %dma_wait3A_158 = arith.constant 0 : i32
        %dma_wait3A_159 = tpu.memref_slice %arg4[%add3A_157, %dma_wait3A_158] : memref<12000x6272xf32, #tpu.memory_space<hbm>> -> memref<8x6272xf32, #tpu.memory_space<hbm>>
        %dma_wait3A_160 = arith.constant 0 : i32
        %dma_wait3A_161 = tpu.memref_slice %arg4[%add3A_157, %dma_wait3A_160] : memref<12000x6272xf32, #tpu.memory_space<hbm>> -> memref<8x6272xf32, #tpu.memory_space<hbm>>
        tpu.wait_dma2 semaphore(%arg11 : memref<!tpu.dma_semaphore, #tpu.memory_space<semaphore_mem>>) src(%arg7 : memref<8x6272xf32, #tpu.memory_space<vmem>>) dst(%dma_wait3A_161 : memref<8x6272xf32, #tpu.memory_space<hbm>>)
      } else {
      }
      %add3A_106 = arith.constant 1 : i32
      %add3A_107 = arith.addi %mul3A_97, %add3A_106 : i32
      %mul3A_108 = arith.constant 8 : i32
      %mul3A_109 = arith.muli %add3A_107, %mul3A_108 : i32
      %dma_start3A_110 = tpu.memref_slice %arg5[%mul3A_109] : memref<376xi32, #tpu.memory_space<vmem>> -> memref<8xi32, #tpu.memory_space<vmem>>
      %dma_start3A_111 = arith.constant 0 : i32
      %dma_start3A_112 = arith.constant 0 : i32
      %dma_start3A_113 = tpu.memref_slice %arg2[%dma_start3A_111, %dma_start3A_112] : memref<12000x6272xf32, #tpu.memory_space<hbm>> -> memref<12000x6272xf32, #tpu.memory_space<hbm>>
      tpu.enqueue_indirect_dma source(%dma_start3A_113 : memref<12000x6272xf32, #tpu.memory_space<hbm>>) target(%arg7 : memref<8x6272xf32, #tpu.memory_space<vmem>>) offsets(%dma_start3A_110 : memref<8xi32, #tpu.memory_space<vmem>>) semaphore(%arg9 : memref<!tpu.dma_semaphore, #tpu.memory_space<semaphore_mem>>)
      %mul3A_114 = arith.constant 8 : i32
      %mul3A_115 = arith.muli %mul3A_97, %mul3A_114 : i32
      %add3A_116 = arith.addi %mul3A_2, %mul3A_115 : i32
      %dma_start3A_117 = arith.constant 0 : i32
      %dma_start3A_118 = tpu.memref_slice %arg4[%add3A_116, %dma_start3A_117] : memref<12000x6272xf32, #tpu.memory_space<hbm>> -> memref<8x6272xf32, #tpu.memory_space<hbm>>
      %dma_start3A_119 = arith.constant 0 : i32
      %dma_start3A_120 = tpu.memref_slice %arg4[%add3A_116, %dma_start3A_119] : memref<12000x6272xf32, #tpu.memory_space<hbm>> -> memref<8x6272xf32, #tpu.memory_space<hbm>>
      tpu.enqueue_dma source(%arg6 : memref<8x6272xf32, #tpu.memory_space<vmem>>) target(%dma_start3A_120 : memref<8x6272xf32, #tpu.memory_space<hbm>>) target_semaphore(%arg10 : memref<!tpu.dma_semaphore, #tpu.memory_space<semaphore_mem>>)
      %add3A_121 = arith.constant 1 : i32
      %add3A_122 = arith.addi %mul3A_97, %add3A_121 : i32
      %mul3A_123 = arith.constant 8 : i32
      %mul3A_124 = arith.muli %add3A_122, %mul3A_123 : i32
      %dma_wait3A_125 = tpu.memref_slice %arg5[%mul3A_124] : memref<376xi32, #tpu.memory_space<vmem>> -> memref<8xi32, #tpu.memory_space<vmem>>
      %dma_wait3A_126 = arith.constant 0 : i32
      %dma_wait3A_127 = arith.constant 0 : i32
      %dma_wait3A_128 = tpu.memref_slice %arg2[%dma_wait3A_126, %dma_wait3A_127] : memref<12000x6272xf32, #tpu.memory_space<hbm>> -> memref<12000x6272xf32, #tpu.memory_space<hbm>>
      tpu.wait_indirect_dma semaphore(%arg9 : memref<!tpu.dma_semaphore, #tpu.memory_space<semaphore_mem>>) src(%dma_wait3A_128 : memref<12000x6272xf32, #tpu.memory_space<hbm>>) dst(%arg7 : memref<8x6272xf32, #tpu.memory_space<vmem>>)
      %mul3A_129 = arith.constant 8 : i32
      %mul3A_130 = arith.muli %mul3A_97, %mul3A_129 : i32
      %add3A_131 = arith.addi %mul3A_2, %mul3A_130 : i32
      %dma_wait3A_132 = arith.constant 0 : i32
      %dma_wait3A_133 = tpu.memref_slice %arg4[%add3A_131, %dma_wait3A_132] : memref<12000x6272xf32, #tpu.memory_space<hbm>> -> memref<8x6272xf32, #tpu.memory_space<hbm>>
      %dma_wait3A_134 = arith.constant 0 : i32
      %dma_wait3A_135 = tpu.memref_slice %arg4[%add3A_131, %dma_wait3A_134] : memref<12000x6272xf32, #tpu.memory_space<hbm>> -> memref<8x6272xf32, #tpu.memory_space<hbm>>
      tpu.wait_dma2 semaphore(%arg10 : memref<!tpu.dma_semaphore, #tpu.memory_space<semaphore_mem>>) src(%arg6 : memref<8x6272xf32, #tpu.memory_space<vmem>>) dst(%dma_wait3A_135 : memref<8x6272xf32, #tpu.memory_space<hbm>>)
      %add3A_136 = arith.constant 2 : i32
      %add3A_137 = arith.addi %mul3A_97, %add3A_136 : i32
      %mul3A_138 = arith.constant 8 : i32
      %mul3A_139 = arith.muli %add3A_137, %mul3A_138 : i32
      %dma_start3A_140 = tpu.memref_slice %arg5[%mul3A_139] : memref<376xi32, #tpu.memory_space<vmem>> -> memref<8xi32, #tpu.memory_space<vmem>>
      %dma_start3A_141 = arith.constant 0 : i32
      %dma_start3A_142 = arith.constant 0 : i32
      %dma_start3A_143 = tpu.memref_slice %arg2[%dma_start3A_141, %dma_start3A_142] : memref<12000x6272xf32, #tpu.memory_space<hbm>> -> memref<12000x6272xf32, #tpu.memory_space<hbm>>
      tpu.enqueue_indirect_dma source(%dma_start3A_143 : memref<12000x6272xf32, #tpu.memory_space<hbm>>) target(%arg6 : memref<8x6272xf32, #tpu.memory_space<vmem>>) offsets(%dma_start3A_140 : memref<8xi32, #tpu.memory_space<vmem>>) semaphore(%arg8 : memref<!tpu.dma_semaphore, #tpu.memory_space<semaphore_mem>>)
      %add3A_144 = arith.constant 1 : i32
      %add3A_145 = arith.addi %mul3A_97, %add3A_144 : i32
      %mul3A_146 = arith.constant 8 : i32
      %mul3A_147 = arith.muli %add3A_145, %mul3A_146 : i32
      %add3A_148 = arith.addi %mul3A_2, %mul3A_147 : i32
      %dma_start3A_149 = arith.constant 0 : i32
      %dma_start3A_150 = tpu.memref_slice %arg4[%add3A_148, %dma_start3A_149] : memref<12000x6272xf32, #tpu.memory_space<hbm>> -> memref<8x6272xf32, #tpu.memory_space<hbm>>
      %dma_start3A_151 = arith.constant 0 : i32
      %dma_start3A_152 = tpu.memref_slice %arg4[%add3A_148, %dma_start3A_151] : memref<12000x6272xf32, #tpu.memory_space<hbm>> -> memref<8x6272xf32, #tpu.memory_space<hbm>>
      tpu.enqueue_dma source(%arg7 : memref<8x6272xf32, #tpu.memory_space<vmem>>) target(%dma_start3A_152 : memref<8x6272xf32, #tpu.memory_space<hbm>>) target_semaphore(%arg11 : memref<!tpu.dma_semaphore, #tpu.memory_space<semaphore_mem>>)
    }
    %while3A_60 = arith.constant 1 : i32
    scf.for %while3A_95 = %while3A_58 to %while3A_54 step %while3A_60  : i32 {
      %mul3A_96 = arith.constant 2 : i32
      %mul3A_97 = arith.muli %mul3A_96, %while3A_95 : i32
      %mul3A_98 = arith.constant 8 : i32
      %mul3A_99 = arith.muli %mul3A_97, %mul3A_98 : i32
      %dma_wait3A_100 = tpu.memref_slice %arg5[%mul3A_99] : memref<376xi32, #tpu.memory_space<vmem>> -> memref<8xi32, #tpu.memory_space<vmem>>
      %dma_wait3A_101 = arith.constant 0 : i32
      %dma_wait3A_102 = arith.constant 0 : i32
      %dma_wait3A_103 = tpu.memref_slice %arg2[%dma_wait3A_101, %dma_wait3A_102] : memref<12000x6272xf32, #tpu.memory_space<hbm>> -> memref<12000x6272xf32, #tpu.memory_space<hbm>>
      tpu.wait_indirect_dma semaphore(%arg8 : memref<!tpu.dma_semaphore, #tpu.memory_space<semaphore_mem>>) src(%dma_wait3A_103 : memref<12000x6272xf32, #tpu.memory_space<hbm>>) dst(%arg6 : memref<8x6272xf32, #tpu.memory_space<vmem>>)
      %gt3A = arith.constant 0 : i32
      %gt3A_104 = arith.cmpi sgt, %while3A_95, %gt3A : i32
      %convert_element_type3A = arith.extui %gt3A_104 : i1 to i32
      %cond3A = arith.constant 0 : i32
      %cond3A_105 = arith.cmpi ne, %convert_element_type3A, %cond3A : i32
      scf.if %cond3A_105 {
        %sub3A_153 = arith.constant 1 : i32
        %sub3A_154 = arith.subi %mul3A_97, %sub3A_153 : i32
        %mul3A_155 = arith.constant 8 : i32
        %mul3A_156 = arith.muli %sub3A_154, %mul3A_155 : i32
        %add3A_157 = arith.addi %mul3A_2, %mul3A_156 : i32
        %dma_wait3A_158 = arith.constant 0 : i32
        %dma_wait3A_159 = tpu.memref_slice %arg4[%add3A_157, %dma_wait3A_158] : memref<12000x6272xf32, #tpu.memory_space<hbm>> -> memref<8x6272xf32, #tpu.memory_space<hbm>>
        %dma_wait3A_160 = arith.constant 0 : i32
        %dma_wait3A_161 = tpu.memref_slice %arg4[%add3A_157, %dma_wait3A_160] : memref<12000x6272xf32, #tpu.memory_space<hbm>> -> memref<8x6272xf32, #tpu.memory_space<hbm>>
        tpu.wait_dma2 semaphore(%arg11 : memref<!tpu.dma_semaphore, #tpu.memory_space<semaphore_mem>>) src(%arg7 : memref<8x6272xf32, #tpu.memory_space<vmem>>) dst(%dma_wait3A_161 : memref<8x6272xf32, #tpu.memory_space<hbm>>)
      } else {
      }
      %add3A_106 = arith.constant 1 : i32
      %add3A_107 = arith.addi %mul3A_97, %add3A_106 : i32
      %mul3A_108 = arith.constant 8 : i32
      %mul3A_109 = arith.muli %add3A_107, %mul3A_108 : i32
      %dma_start3A_110 = tpu.memref_slice %arg5[%mul3A_109] : memref<376xi32, #tpu.memory_space<vmem>> -> memref<8xi32, #tpu.memory_space<vmem>>
      %dma_start3A_111 = arith.constant 0 : i32
      %dma_start3A_112 = arith.constant 0 : i32
      %dma_start3A_113 = tpu.memref_slice %arg2[%dma_start3A_111, %dma_start3A_112] : memref<12000x6272xf32, #tpu.memory_space<hbm>> -> memref<12000x6272xf32, #tpu.memory_space<hbm>>
      tpu.enqueue_indirect_dma source(%dma_start3A_113 : memref<12000x6272xf32, #tpu.memory_space<hbm>>) target(%arg7 : memref<8x6272xf32, #tpu.memory_space<vmem>>) offsets(%dma_start3A_110 : memref<8xi32, #tpu.memory_space<vmem>>) semaphore(%arg9 : memref<!tpu.dma_semaphore, #tpu.memory_space<semaphore_mem>>)
      %mul3A_114 = arith.constant 8 : i32
      %mul3A_115 = arith.muli %mul3A_97, %mul3A_114 : i32
      %add3A_116 = arith.addi %mul3A_2, %mul3A_115 : i32
      %dma_start3A_117 = arith.constant 0 : i32
      %dma_start3A_118 = tpu.memref_slice %arg4[%add3A_116, %dma_start3A_117] : memref<12000x6272xf32, #tpu.memory_space<hbm>> -> memref<8x6272xf32, #tpu.memory_space<hbm>>
      %dma_start3A_119 = arith.constant 0 : i32
      %dma_start3A_120 = tpu.memref_slice %arg4[%add3A_116, %dma_start3A_119] : memref<12000x6272xf32, #tpu.memory_space<hbm>> -> memref<8x6272xf32, #tpu.memory_space<hbm>>
      tpu.enqueue_dma source(%arg6 : memref<8x6272xf32, #tpu.memory_space<vmem>>) target(%dma_start3A_120 : memref<8x6272xf32, #tpu.memory_space<hbm>>) target_semaphore(%arg10 : memref<!tpu.dma_semaphore, #tpu.memory_space<semaphore_mem>>)
      %add3A_121 = arith.constant 1 : i32
      %add3A_122 = arith.addi %mul3A_97, %add3A_121 : i32
      %mul3A_123 = arith.constant 8 : i32
      %mul3A_124 = arith.muli %add3A_122, %mul3A_123 : i32
      %dma_wait3A_125 = tpu.memref_slice %arg5[%mul3A_124] : memref<376xi32, #tpu.memory_space<vmem>> -> memref<8xi32, #tpu.memory_space<vmem>>
      %dma_wait3A_126 = arith.constant 0 : i32
      %dma_wait3A_127 = arith.constant 0 : i32
      %dma_wait3A_128 = tpu.memref_slice %arg2[%dma_wait3A_126, %dma_wait3A_127] : memref<12000x6272xf32, #tpu.memory_space<hbm>> -> memref<12000x6272xf32, #tpu.memory_space<hbm>>
      tpu.wait_indirect_dma semaphore(%arg9 : memref<!tpu.dma_semaphore, #tpu.memory_space<semaphore_mem>>) src(%dma_wait3A_128 : memref<12000x6272xf32, #tpu.memory_space<hbm>>) dst(%arg7 : memref<8x6272xf32, #tpu.memory_space<vmem>>)
      %mul3A_129 = arith.constant 8 : i32
      %mul3A_130 = arith.muli %mul3A_97, %mul3A_129 : i32
      %add3A_131 = arith.addi %mul3A_2, %mul3A_130 : i32
      %dma_wait3A_132 = arith.constant 0 : i32
      %dma_wait3A_133 = tpu.memref_slice %arg4[%add3A_131, %dma_wait3A_132] : memref<12000x6272xf32, #tpu.memory_space<hbm>> -> memref<8x6272xf32, #tpu.memory_space<hbm>>
      %dma_wait3A_134 = arith.constant 0 : i32
      %dma_wait3A_135 = tpu.memref_slice %arg4[%add3A_131, %dma_wait3A_134] : memref<12000x6272xf32, #tpu.memory_space<hbm>> -> memref<8x6272xf32, #tpu.memory_space<hbm>>
      tpu.wait_dma2 semaphore(%arg10 : memref<!tpu.dma_semaphore, #tpu.memory_space<semaphore_mem>>) src(%arg6 : memref<8x6272xf32, #tpu.memory_space<vmem>>) dst(%dma_wait3A_135 : memref<8x6272xf32, #tpu.memory_space<hbm>>)
      %add3A_136 = arith.constant 2 : i32
      %add3A_137 = arith.addi %mul3A_97, %add3A_136 : i32
      %mul3A_138 = arith.constant 8 : i32
      %mul3A_139 = arith.muli %add3A_137, %mul3A_138 : i32
      %dma_start3A_140 = tpu.memref_slice %arg5[%mul3A_139] : memref<376xi32, #tpu.memory_space<vmem>> -> memref<8xi32, #tpu.memory_space<vmem>>
      %dma_start3A_141 = arith.constant 0 : i32
      %dma_start3A_142 = arith.constant 0 : i32
      %dma_start3A_143 = tpu.memref_slice %arg2[%dma_start3A_141, %dma_start3A_142] : memref<12000x6272xf32, #tpu.memory_space<hbm>> -> memref<12000x6272xf32, #tpu.memory_space<hbm>>
      tpu.enqueue_indirect_dma source(%dma_start3A_143 : memref<12000x6272xf32, #tpu.memory_space<hbm>>) target(%arg6 : memref<8x6272xf32, #tpu.memory_space<vmem>>) offsets(%dma_start3A_140 : memref<8xi32, #tpu.memory_space<vmem>>) semaphore(%arg8 : memref<!tpu.dma_semaphore, #tpu.memory_space<semaphore_mem>>)
      %add3A_144 = arith.constant 1 : i32
      %add3A_145 = arith.addi %mul3A_97, %add3A_144 : i32
      %mul3A_146 = arith.constant 8 : i32
      %mul3A_147 = arith.muli %add3A_145, %mul3A_146 : i32
      %add3A_148 = arith.addi %mul3A_2, %mul3A_147 : i32
      %dma_start3A_149 = arith.constant 0 : i32
      %dma_start3A_150 = tpu.memref_slice %arg4[%add3A_148, %dma_start3A_149] : memref<12000x6272xf32, #tpu.memory_space<hbm>> -> memref<8x6272xf32, #tpu.memory_space<hbm>>
      %dma_start3A_151 = arith.constant 0 : i32
      %dma_start3A_152 = tpu.memref_slice %arg4[%add3A_148, %dma_start3A_151] : memref<12000x6272xf32, #tpu.memory_space<hbm>> -> memref<8x6272xf32, #tpu.memory_space<hbm>>
      tpu.enqueue_dma source(%arg7 : memref<8x6272xf32, #tpu.memory_space<vmem>>) target(%dma_start3A_152 : memref<8x6272xf32, #tpu.memory_space<hbm>>) target_semaphore(%arg11 : memref<!tpu.dma_semaphore, #tpu.memory_space<semaphore_mem>>)
    }
    %sub3A_61 = arith.constant 1 : i32
    %sub3A_62 = arith.subi %select_n3A, %sub3A_61 : i32
    %mul3A_63 = arith.constant 8 : i32
    %mul3A_64 = arith.muli %sub3A_62, %mul3A_63 : i32
    %dma_wait3A = tpu.memref_slice %arg5[%mul3A_64] : memref<376xi32, #tpu.memory_space<vmem>> -> memref<8xi32, #tpu.memory_space<vmem>>
    %dma_wait3A_65 = arith.constant 0 : i32
    %dma_wait3A_66 = arith.constant 0 : i32
    %dma_wait3A_67 = tpu.memref_slice %arg2[%dma_wait3A_65, %dma_wait3A_66] : memref<12000x6272xf32, #tpu.memory_space<hbm>> -> memref<12000x6272xf32, #tpu.memory_space<hbm>>
    tpu.wait_indirect_dma semaphore(%arg8 : memref<!tpu.dma_semaphore, #tpu.memory_space<semaphore_mem>>) src(%dma_wait3A_67 : memref<12000x6272xf32, #tpu.memory_space<hbm>>) dst(%arg6 : memref<8x6272xf32, #tpu.memory_space<vmem>>)
    %sub3A_68 = arith.constant 2 : i32
    %sub3A_69 = arith.subi %select_n3A, %sub3A_68 : i32
    %mul3A_70 = arith.constant 8 : i32
    %mul3A_71 = arith.muli %sub3A_69, %mul3A_70 : i32
    %add3A_72 = arith.addi %mul3A_2, %mul3A_71 : i32
    %dma_wait3A_73 = arith.constant 0 : i32
    %dma_wait3A_74 = tpu.memref_slice %arg4[%add3A_72, %dma_wait3A_73] : memref<12000x6272xf32, #tpu.memory_space<hbm>> -> memref<8x6272xf32, #tpu.memory_space<hbm>>
    %dma_wait3A_75 = arith.constant 0 : i32
    %dma_wait3A_76 = tpu.memref_slice %arg4[%add3A_72, %dma_wait3A_75] : memref<12000x6272xf32, #tpu.memory_space<hbm>> -> memref<8x6272xf32, #tpu.memory_space<hbm>>
    tpu.wait_dma2 semaphore(%arg11 : memref<!tpu.dma_semaphore, #tpu.memory_space<semaphore_mem>>) src(%arg7 : memref<8x6272xf32, #tpu.memory_space<vmem>>) dst(%dma_wait3A_76 : memref<8x6272xf32, #tpu.memory_space<hbm>>)
    %sub3A_77 = arith.constant 1 : i32
    %sub3A_78 = arith.subi %select_n3A, %sub3A_77 : i32
    %mul3A_79 = arith.constant 8 : i32
    %mul3A_80 = arith.muli %sub3A_78, %mul3A_79 : i32
    %add3A_81 = arith.addi %mul3A_2, %mul3A_80 : i32
    %dma_start3A_82 = arith.constant 0 : i32
    %dma_start3A_83 = tpu.memref_slice %arg4[%add3A_81, %dma_start3A_82] : memref<12000x6272xf32, #tpu.memory_space<hbm>> -> memref<8x6272xf32, #tpu.memory_space<hbm>>
    %dma_start3A_84 = arith.constant 0 : i32
    %dma_start3A_85 = tpu.memref_slice %arg4[%add3A_81, %dma_start3A_84] : memref<12000x6272xf32, #tpu.memory_space<hbm>> -> memref<8x6272xf32, #tpu.memory_space<hbm>>
    tpu.enqueue_dma source(%arg6 : memref<8x6272xf32, #tpu.memory_space<vmem>>) target(%dma_start3A_85 : memref<8x6272xf32, #tpu.memory_space<hbm>>) target_semaphore(%arg10 : memref<!tpu.dma_semaphore, #tpu.memory_space<semaphore_mem>>)
    %sub3A_86 = arith.constant 1 : i32
    %sub3A_87 = arith.subi %select_n3A, %sub3A_86 : i32
    %mul3A_88 = arith.constant 8 : i32
    %mul3A_89 = arith.muli %sub3A_87, %mul3A_88 : i32
    %add3A_90 = arith.addi %mul3A_2, %mul3A_89 : i32
    %dma_wait3A_91 = arith.constant 0 : i32
    %dma_wait3A_92 = tpu.memref_slice %arg4[%add3A_90, %dma_wait3A_91] : memref<12000x6272xf32, #tpu.memory_space<hbm>> -> memref<8x6272xf32, #tpu.memory_space<hbm>>
    %dma_wait3A_93 = arith.constant 0 : i32
    %dma_wait3A_94 = tpu.memref_slice %arg4[%add3A_90, %dma_wait3A_93] : memref<12000x6272xf32, #tpu.memory_space<hbm>> -> memref<8x6272xf32, #tpu.memory_space<hbm>>
    tpu.wait_dma2 semaphore(%arg10 : memref<!tpu.dma_semaphore, #tpu.memory_space<semaphore_mem>>) src(%arg6 : memref<8x6272xf32, #tpu.memory_space<vmem>>) dst(%dma_wait3A_94 : memref<8x6272xf32, #tpu.memory_space<hbm>>)
    return
  }
}

#map = affine_map<(d0, d1) -> (0, 0)>
#map1 = affine_map<(d0, d1) -> (0)>
module attributes {stable_mosaic.version = 14 : i64} {
  func.func @_sc_permute_body(%arg0: i32, %arg1: i32, %arg2: memref<12000x6272xf32, #tpu.memory_space<hbm>>, %arg3: memref<12032xi32, #tpu.memory_space<hbm>>, %arg4: memref<12000x6272xf32, #tpu.memory_space<hbm>>, %arg5: memref<376xi32, #tpu.memory_space<vmem>>, %arg6: memref<8x6272xf32, #tpu.memory_space<vmem>>, %arg7: memref<8x6272xf32, #tpu.memory_space<vmem>>, %arg8: memref<!tpu.dma_semaphore, #tpu.memory_space<semaphore_mem>>, %arg9: memref<!tpu.dma_semaphore, #tpu.memory_space<semaphore_mem>>, %arg10: memref<!tpu.dma_semaphore, #tpu.memory_space<semaphore_mem>>, %arg11: memref<!tpu.dma_semaphore, #tpu.memory_space<semaphore_mem>>) attributes {dimension_semantics = [#tpu.dimension_semantics<core_parallel>, #tpu.dimension_semantics<subcore_parallel>], iteration_bounds = array<i64: 2, 16>, scalar_prefetch = 0 : i64, scratch_operands = 7 : i64, tpu.core_type = #tpu.core_type<sc_vector_subcore>, window_params = [{transform_indices = #map}, {transform_indices = #map1}, {transform_indices = #map}]} {
    %mul3A = arith.constant 2 : i32
    %mul3A_0 = arith.muli %arg1, %mul3A : i32
    %add3A = arith.addi %mul3A_0, %arg0 : i32
    %mul3A_1 = arith.constant 376 : i32
    %mul3A_2 = arith.muli %add3A, %mul3A_1 : i32
    %sub3A = arith.constant 12000 : i32
    %sub3A_3 = arith.subi %sub3A, %mul3A_2 : i32
    %min3A = arith.constant 376 : i32
    %min3A_4 = arith.minsi %min3A, %sub3A_3 : i32
    %jit3A = arith.constant 8 : i32
    %div3A = arith.divsi %min3A_4, %jit3A : i32
    %sign3A = arith.constant 0 : i32
    %sign3A_5 = arith.cmpi sgt, %min3A_4, %sign3A : i32
    %sign3A_6 = arith.extui %sign3A_5 : i1 to i32
    %sign3A_7 = arith.constant 0 : i32
    %sign3A_8 = arith.cmpi slt, %min3A_4, %sign3A_7 : i32
    %sign3A_9 = arith.extui %sign3A_8 : i1 to i32
    %sign3A_10 = arith.subi %sign3A_6, %sign3A_9 : i32
    %sign3A_11 = arith.constant 0 : i32
    %sign3A_12 = arith.cmpi sgt, %jit3A, %sign3A_11 : i32
    %sign3A_13 = arith.extui %sign3A_12 : i1 to i32
    %sign3A_14 = arith.constant 0 : i32
    %sign3A_15 = arith.cmpi slt, %jit3A, %sign3A_14 : i32
    %sign3A_16 = arith.extui %sign3A_15 : i1 to i32
    %sign3A_17 = arith.subi %sign3A_13, %sign3A_16 : i32
    %ne3A = arith.cmpi ne, %sign3A_10, %sign3A_17 : i32
    %rem3A = arith.remsi %min3A_4, %jit3A : i32
    %ne3A_18 = arith.constant 0 : i32
    %ne3A_19 = arith.cmpi ne, %rem3A, %ne3A_18 : i32
    %and3A = arith.andi %ne3A, %ne3A_19 : i1
    %sub3A_20 = arith.constant 1 : i32
    %sub3A_21 = arith.subi %div3A, %sub3A_20 : i32
    %select_n3A = arith.select %and3A, %sub3A_21, %div3A : i32
    %sub3A_22 = arith.constant 1 : i32
    %sub3A_23 = arith.subi %select_n3A, %sub3A_22 : i32
    %jit3A_24 = arith.constant 2 : i32
    %div3A_25 = arith.divsi %sub3A_23, %jit3A_24 : i32
    %sign3A_26 = arith.constant 0 : i32
    %sign3A_27 = arith.cmpi sgt, %sub3A_23, %sign3A_26 : i32
    %sign3A_28 = arith.extui %sign3A_27 : i1 to i32
    %sign3A_29 = arith.constant 0 : i32
    %sign3A_30 = arith.cmpi slt, %sub3A_23, %sign3A_29 : i32
    %sign3A_31 = arith.extui %sign3A_30 : i1 to i32
    %sign3A_32 = arith.subi %sign3A_28, %sign3A_31 : i32
    %sign3A_33 = arith.constant 0 : i32
    %sign3A_34 = arith.cmpi sgt, %jit3A_24, %sign3A_33 : i32
    %sign3A_35 = arith.extui %sign3A_34 : i1 to i32
    %sign3A_36 = arith.constant 0 : i32
    %sign3A_37 = arith.cmpi slt, %jit3A_24, %sign3A_36 : i32
    %sign3A_38 = arith.extui %sign3A_37 : i1 to i32
    %sign3A_39 = arith.subi %sign3A_35, %sign3A_38 : i32
    %ne3A_40 = arith.cmpi ne, %sign3A_32, %sign3A_39 : i32
    %rem3A_41 = arith.remsi %sub3A_23, %jit3A_24 : i32
    %ne3A_42 = arith.constant 0 : i32
    %ne3A_43 = arith.cmpi ne, %rem3A_41, %ne3A_42 : i32
    %and3A_44 = arith.andi %ne3A_40, %ne3A_43 : i1
    %sub3A_45 = arith.constant 1 : i32
    %sub3A_46 = arith.subi %div3A_25, %sub3A_45 : i32
    %select_n3A_47 = arith.select %and3A_44, %sub3A_46, %div3A_25 : i32
    "tpu.region"() ({
      %run_scoped3A = tpu.sem_alloc : memref<!tpu.dma_semaphore, #tpu.memory_space<semaphore_mem>>
      %dma_start3A_95 = tpu.memref_slice %arg3[%mul3A_2] : memref<12032xi32, #tpu.memory_space<hbm>> -> memref<376xi32, #tpu.memory_space<hbm>>
      %dma_start3A_96 = tpu.memref_slice %arg3[%mul3A_2] : memref<12032xi32, #tpu.memory_space<hbm>> -> memref<376xi32, #tpu.memory_space<hbm>>
      tpu.enqueue_dma source(%dma_start3A_96 : memref<376xi32, #tpu.memory_space<hbm>>) target(%arg5 : memref<376xi32, #tpu.memory_space<vmem>>) target_semaphore(%run_scoped3A : memref<!tpu.dma_semaphore, #tpu.memory_space<semaphore_mem>>)
      %dma_wait3A_97 = tpu.memref_slice %arg3[%mul3A_2] : memref<12032xi32, #tpu.memory_space<hbm>> -> memref<376xi32, #tpu.memory_space<hbm>>
      %dma_wait3A_98 = tpu.memref_slice %arg3[%mul3A_2] : memref<12032xi32, #tpu.memory_space<hbm>> -> memref<376xi32, #tpu.memory_space<hbm>>
      tpu.wait_dma2 semaphore(%run_scoped3A : memref<!tpu.dma_semaphore, #tpu.memory_space<semaphore_mem>>) src(%dma_wait3A_98 : memref<376xi32, #tpu.memory_space<hbm>>) dst(%arg5 : memref<376xi32, #tpu.memory_space<vmem>>)
      tpu.yield
    }) : () -> ()
    %dma_start3A = arith.constant 0 : i32
    %dma_start3A_48 = tpu.memref_slice %arg5[%dma_start3A] : memref<376xi32, #tpu.memory_space<vmem>> -> memref<8xi32, #tpu.memory_space<vmem>>
    %dma_start3A_49 = arith.constant 0 : i32
    %dma_start3A_50 = arith.constant 0 : i32
    %dma_start3A_51 = tpu.memref_slice %arg2[%dma_start3A_49, %dma_start3A_50] : memref<12000x6272xf32, #tpu.memory_space<hbm>> -> memref<12000x6272xf32, #tpu.memory_space<hbm>>
    tpu.enqueue_indirect_dma source(%dma_start3A_51 : memref<12000x6272xf32, #tpu.memory_space<hbm>>) target(%arg6 : memref<8x6272xf32, #tpu.memory_space<vmem>>) offsets(%dma_start3A_48 : memref<8xi32, #tpu.memory_space<vmem>>) semaphore(%arg8 : memref<!tpu.dma_semaphore, #tpu.memory_space<semaphore_mem>>)
    %while3A = arith.constant 0 : i32
    %while3A_52 = arith.constant 0 : i32
    %while3A_53 = arith.subi %select_n3A_47, %while3A_52 : i32
    %while3A_54 = arith.addi %while3A_52, %while3A_53 : i32
    %while3A_55 = arith.constant 1 : i32
    %while3A_56 = arith.divsi %while3A_53, %while3A_55 : i32
    %while3A_57 = arith.muli %while3A_56, %while3A_55 : i32
    %while3A_58 = arith.addi %while3A_52, %while3A_57 : i32
    %while3A_59 = arith.constant 1 : i32
    scf.for %while3A_95 = %while3A_52 to %while3A_58 step %while3A_59  : i32 {
      %mul3A_96 = arith.constant 2 : i32
      %mul3A_97 = arith.muli %mul3A_96, %while3A_95 : i32
      %mul3A_98 = arith.constant 8 : i32
      %mul3A_99 = arith.muli %mul3A_97, %mul3A_98 : i32
      %dma_wait3A_100 = tpu.memref_slice %arg5[%mul3A_99] : memref<376xi32, #tpu.memory_space<vmem>> -> memref<8xi32, #tpu.memory_space<vmem>>
      %dma_wait3A_101 = arith.constant 0 : i32
      %dma_wait3A_102 = arith.constant 0 : i32
      %dma_wait3A_103 = tpu.memref_slice %arg2[%dma_wait3A_101, %dma_wait3A_102] : memref<12000x6272xf32, #tpu.memory_space<hbm>> -> memref<12000x6272xf32, #tpu.memory_space<hbm>>
      tpu.wait_indirect_dma semaphore(%arg8 : memref<!tpu.dma_semaphore, #tpu.memory_space<semaphore_mem>>) src(%dma_wait3A_103 : memref<12000x6272xf32, #tpu.memory_space<hbm>>) dst(%arg6 : memref<8x6272xf32, #tpu.memory_space<vmem>>)
      %gt3A = arith.constant 0 : i32
      %gt3A_104 = arith.cmpi sgt, %while3A_95, %gt3A : i32
      %convert_element_type3A = arith.extui %gt3A_104 : i1 to i32
      %cond3A = arith.constant 0 : i32
      %cond3A_105 = arith.cmpi ne, %convert_element_type3A, %cond3A : i32
      scf.if %cond3A_105 {
        %sub3A_153 = arith.constant 1 : i32
        %sub3A_154 = arith.subi %mul3A_97, %sub3A_153 : i32
        %mul3A_155 = arith.constant 8 : i32
        %mul3A_156 = arith.muli %sub3A_154, %mul3A_155 : i32
        %add3A_157 = arith.addi %mul3A_2, %mul3A_156 : i32
        %dma_wait3A_158 = arith.constant 0 : i32
        %dma_wait3A_159 = tpu.memref_slice %arg4[%add3A_157, %dma_wait3A_158] : memref<12000x6272xf32, #tpu.memory_space<hbm>> -> memref<8x6272xf32, #tpu.memory_space<hbm>>
        %dma_wait3A_160 = arith.constant 0 : i32
        %dma_wait3A_161 = tpu.memref_slice %arg4[%add3A_157, %dma_wait3A_160] : memref<12000x6272xf32, #tpu.memory_space<hbm>> -> memref<8x6272xf32, #tpu.memory_space<hbm>>
        tpu.wait_dma2 semaphore(%arg11 : memref<!tpu.dma_semaphore, #tpu.memory_space<semaphore_mem>>) src(%arg7 : memref<8x6272xf32, #tpu.memory_space<vmem>>) dst(%dma_wait3A_161 : memref<8x6272xf32, #tpu.memory_space<hbm>>)
      } else {
      }
      %add3A_106 = arith.constant 1 : i32
      %add3A_107 = arith.addi %mul3A_97, %add3A_106 : i32
      %mul3A_108 = arith.constant 8 : i32
      %mul3A_109 = arith.muli %add3A_107, %mul3A_108 : i32
      %dma_start3A_110 = tpu.memref_slice %arg5[%mul3A_109] : memref<376xi32, #tpu.memory_space<vmem>> -> memref<8xi32, #tpu.memory_space<vmem>>
      %dma_start3A_111 = arith.constant 0 : i32
      %dma_start3A_112 = arith.constant 0 : i32
      %dma_start3A_113 = tpu.memref_slice %arg2[%dma_start3A_111, %dma_start3A_112] : memref<12000x6272xf32, #tpu.memory_space<hbm>> -> memref<12000x6272xf32, #tpu.memory_space<hbm>>
      tpu.enqueue_indirect_dma source(%dma_start3A_113 : memref<12000x6272xf32, #tpu.memory_space<hbm>>) target(%arg7 : memref<8x6272xf32, #tpu.memory_space<vmem>>) offsets(%dma_start3A_110 : memref<8xi32, #tpu.memory_space<vmem>>) semaphore(%arg9 : memref<!tpu.dma_semaphore, #tpu.memory_space<semaphore_mem>>)
      %mul3A_114 = arith.constant 8 : i32
      %mul3A_115 = arith.muli %mul3A_97, %mul3A_114 : i32
      %add3A_116 = arith.addi %mul3A_2, %mul3A_115 : i32
      %dma_start3A_117 = arith.constant 0 : i32
      %dma_start3A_118 = tpu.memref_slice %arg4[%add3A_116, %dma_start3A_117] : memref<12000x6272xf32, #tpu.memory_space<hbm>> -> memref<8x6272xf32, #tpu.memory_space<hbm>>
      %dma_start3A_119 = arith.constant 0 : i32
      %dma_start3A_120 = tpu.memref_slice %arg4[%add3A_116, %dma_start3A_119] : memref<12000x6272xf32, #tpu.memory_space<hbm>> -> memref<8x6272xf32, #tpu.memory_space<hbm>>
      tpu.enqueue_dma source(%arg6 : memref<8x6272xf32, #tpu.memory_space<vmem>>) target(%dma_start3A_120 : memref<8x6272xf32, #tpu.memory_space<hbm>>) target_semaphore(%arg10 : memref<!tpu.dma_semaphore, #tpu.memory_space<semaphore_mem>>)
      %add3A_121 = arith.constant 1 : i32
      %add3A_122 = arith.addi %mul3A_97, %add3A_121 : i32
      %mul3A_123 = arith.constant 8 : i32
      %mul3A_124 = arith.muli %add3A_122, %mul3A_123 : i32
      %dma_wait3A_125 = tpu.memref_slice %arg5[%mul3A_124] : memref<376xi32, #tpu.memory_space<vmem>> -> memref<8xi32, #tpu.memory_space<vmem>>
      %dma_wait3A_126 = arith.constant 0 : i32
      %dma_wait3A_127 = arith.constant 0 : i32
      %dma_wait3A_128 = tpu.memref_slice %arg2[%dma_wait3A_126, %dma_wait3A_127] : memref<12000x6272xf32, #tpu.memory_space<hbm>> -> memref<12000x6272xf32, #tpu.memory_space<hbm>>
      tpu.wait_indirect_dma semaphore(%arg9 : memref<!tpu.dma_semaphore, #tpu.memory_space<semaphore_mem>>) src(%dma_wait3A_128 : memref<12000x6272xf32, #tpu.memory_space<hbm>>) dst(%arg7 : memref<8x6272xf32, #tpu.memory_space<vmem>>)
      %mul3A_129 = arith.constant 8 : i32
      %mul3A_130 = arith.muli %mul3A_97, %mul3A_129 : i32
      %add3A_131 = arith.addi %mul3A_2, %mul3A_130 : i32
      %dma_wait3A_132 = arith.constant 0 : i32
      %dma_wait3A_133 = tpu.memref_slice %arg4[%add3A_131, %dma_wait3A_132] : memref<12000x6272xf32, #tpu.memory_space<hbm>> -> memref<8x6272xf32, #tpu.memory_space<hbm>>
      %dma_wait3A_134 = arith.constant 0 : i32
      %dma_wait3A_135 = tpu.memref_slice %arg4[%add3A_131, %dma_wait3A_134] : memref<12000x6272xf32, #tpu.memory_space<hbm>> -> memref<8x6272xf32, #tpu.memory_space<hbm>>
      tpu.wait_dma2 semaphore(%arg10 : memref<!tpu.dma_semaphore, #tpu.memory_space<semaphore_mem>>) src(%arg6 : memref<8x6272xf32, #tpu.memory_space<vmem>>) dst(%dma_wait3A_135 : memref<8x6272xf32, #tpu.memory_space<hbm>>)
      %add3A_136 = arith.constant 2 : i32
      %add3A_137 = arith.addi %mul3A_97, %add3A_136 : i32
      %mul3A_138 = arith.constant 8 : i32
      %mul3A_139 = arith.muli %add3A_137, %mul3A_138 : i32
      %dma_start3A_140 = tpu.memref_slice %arg5[%mul3A_139] : memref<376xi32, #tpu.memory_space<vmem>> -> memref<8xi32, #tpu.memory_space<vmem>>
      %dma_start3A_141 = arith.constant 0 : i32
      %dma_start3A_142 = arith.constant 0 : i32
      %dma_start3A_143 = tpu.memref_slice %arg2[%dma_start3A_141, %dma_start3A_142] : memref<12000x6272xf32, #tpu.memory_space<hbm>> -> memref<12000x6272xf32, #tpu.memory_space<hbm>>
      tpu.enqueue_indirect_dma source(%dma_start3A_143 : memref<12000x6272xf32, #tpu.memory_space<hbm>>) target(%arg6 : memref<8x6272xf32, #tpu.memory_space<vmem>>) offsets(%dma_start3A_140 : memref<8xi32, #tpu.memory_space<vmem>>) semaphore(%arg8 : memref<!tpu.dma_semaphore, #tpu.memory_space<semaphore_mem>>)
      %add3A_144 = arith.constant 1 : i32
      %add3A_145 = arith.addi %mul3A_97, %add3A_144 : i32
      %mul3A_146 = arith.constant 8 : i32
      %mul3A_147 = arith.muli %add3A_145, %mul3A_146 : i32
      %add3A_148 = arith.addi %mul3A_2, %mul3A_147 : i32
      %dma_start3A_149 = arith.constant 0 : i32
      %dma_start3A_150 = tpu.memref_slice %arg4[%add3A_148, %dma_start3A_149] : memref<12000x6272xf32, #tpu.memory_space<hbm>> -> memref<8x6272xf32, #tpu.memory_space<hbm>>
      %dma_start3A_151 = arith.constant 0 : i32
      %dma_start3A_152 = tpu.memref_slice %arg4[%add3A_148, %dma_start3A_151] : memref<12000x6272xf32, #tpu.memory_space<hbm>> -> memref<8x6272xf32, #tpu.memory_space<hbm>>
      tpu.enqueue_dma source(%arg7 : memref<8x6272xf32, #tpu.memory_space<vmem>>) target(%dma_start3A_152 : memref<8x6272xf32, #tpu.memory_space<hbm>>) target_semaphore(%arg11 : memref<!tpu.dma_semaphore, #tpu.memory_space<semaphore_mem>>)
    }
    %while3A_60 = arith.constant 1 : i32
    scf.for %while3A_95 = %while3A_58 to %while3A_54 step %while3A_60  : i32 {
      %mul3A_96 = arith.constant 2 : i32
      %mul3A_97 = arith.muli %mul3A_96, %while3A_95 : i32
      %mul3A_98 = arith.constant 8 : i32
      %mul3A_99 = arith.muli %mul3A_97, %mul3A_98 : i32
      %dma_wait3A_100 = tpu.memref_slice %arg5[%mul3A_99] : memref<376xi32, #tpu.memory_space<vmem>> -> memref<8xi32, #tpu.memory_space<vmem>>
      %dma_wait3A_101 = arith.constant 0 : i32
      %dma_wait3A_102 = arith.constant 0 : i32
      %dma_wait3A_103 = tpu.memref_slice %arg2[%dma_wait3A_101, %dma_wait3A_102] : memref<12000x6272xf32, #tpu.memory_space<hbm>> -> memref<12000x6272xf32, #tpu.memory_space<hbm>>
      tpu.wait_indirect_dma semaphore(%arg8 : memref<!tpu.dma_semaphore, #tpu.memory_space<semaphore_mem>>) src(%dma_wait3A_103 : memref<12000x6272xf32, #tpu.memory_space<hbm>>) dst(%arg6 : memref<8x6272xf32, #tpu.memory_space<vmem>>)
      %gt3A = arith.constant 0 : i32
      %gt3A_104 = arith.cmpi sgt, %while3A_95, %gt3A : i32
      %convert_element_type3A = arith.extui %gt3A_104 : i1 to i32
      %cond3A = arith.constant 0 : i32
      %cond3A_105 = arith.cmpi ne, %convert_element_type3A, %cond3A : i32
      scf.if %cond3A_105 {
        %sub3A_153 = arith.constant 1 : i32
        %sub3A_154 = arith.subi %mul3A_97, %sub3A_153 : i32
        %mul3A_155 = arith.constant 8 : i32
        %mul3A_156 = arith.muli %sub3A_154, %mul3A_155 : i32
        %add3A_157 = arith.addi %mul3A_2, %mul3A_156 : i32
        %dma_wait3A_158 = arith.constant 0 : i32
        %dma_wait3A_159 = tpu.memref_slice %arg4[%add3A_157, %dma_wait3A_158] : memref<12000x6272xf32, #tpu.memory_space<hbm>> -> memref<8x6272xf32, #tpu.memory_space<hbm>>
        %dma_wait3A_160 = arith.constant 0 : i32
        %dma_wait3A_161 = tpu.memref_slice %arg4[%add3A_157, %dma_wait3A_160] : memref<12000x6272xf32, #tpu.memory_space<hbm>> -> memref<8x6272xf32, #tpu.memory_space<hbm>>
        tpu.wait_dma2 semaphore(%arg11 : memref<!tpu.dma_semaphore, #tpu.memory_space<semaphore_mem>>) src(%arg7 : memref<8x6272xf32, #tpu.memory_space<vmem>>) dst(%dma_wait3A_161 : memref<8x6272xf32, #tpu.memory_space<hbm>>)
      } else {
      }
      %add3A_106 = arith.constant 1 : i32
      %add3A_107 = arith.addi %mul3A_97, %add3A_106 : i32
      %mul3A_108 = arith.constant 8 : i32
      %mul3A_109 = arith.muli %add3A_107, %mul3A_108 : i32
      %dma_start3A_110 = tpu.memref_slice %arg5[%mul3A_109] : memref<376xi32, #tpu.memory_space<vmem>> -> memref<8xi32, #tpu.memory_space<vmem>>
      %dma_start3A_111 = arith.constant 0 : i32
      %dma_start3A_112 = arith.constant 0 : i32
      %dma_start3A_113 = tpu.memref_slice %arg2[%dma_start3A_111, %dma_start3A_112] : memref<12000x6272xf32, #tpu.memory_space<hbm>> -> memref<12000x6272xf32, #tpu.memory_space<hbm>>
      tpu.enqueue_indirect_dma source(%dma_start3A_113 : memref<12000x6272xf32, #tpu.memory_space<hbm>>) target(%arg7 : memref<8x6272xf32, #tpu.memory_space<vmem>>) offsets(%dma_start3A_110 : memref<8xi32, #tpu.memory_space<vmem>>) semaphore(%arg9 : memref<!tpu.dma_semaphore, #tpu.memory_space<semaphore_mem>>)
      %mul3A_114 = arith.constant 8 : i32
      %mul3A_115 = arith.muli %mul3A_97, %mul3A_114 : i32
      %add3A_116 = arith.addi %mul3A_2, %mul3A_115 : i32
      %dma_start3A_117 = arith.constant 0 : i32
      %dma_start3A_118 = tpu.memref_slice %arg4[%add3A_116, %dma_start3A_117] : memref<12000x6272xf32, #tpu.memory_space<hbm>> -> memref<8x6272xf32, #tpu.memory_space<hbm>>
      %dma_start3A_119 = arith.constant 0 : i32
      %dma_start3A_120 = tpu.memref_slice %arg4[%add3A_116, %dma_start3A_119] : memref<12000x6272xf32, #tpu.memory_space<hbm>> -> memref<8x6272xf32, #tpu.memory_space<hbm>>
      tpu.enqueue_dma source(%arg6 : memref<8x6272xf32, #tpu.memory_space<vmem>>) target(%dma_start3A_120 : memref<8x6272xf32, #tpu.memory_space<hbm>>) target_semaphore(%arg10 : memref<!tpu.dma_semaphore, #tpu.memory_space<semaphore_mem>>)
      %add3A_121 = arith.constant 1 : i32
      %add3A_122 = arith.addi %mul3A_97, %add3A_121 : i32
      %mul3A_123 = arith.constant 8 : i32
      %mul3A_124 = arith.muli %add3A_122, %mul3A_123 : i32
      %dma_wait3A_125 = tpu.memref_slice %arg5[%mul3A_124] : memref<376xi32, #tpu.memory_space<vmem>> -> memref<8xi32, #tpu.memory_space<vmem>>
      %dma_wait3A_126 = arith.constant 0 : i32
      %dma_wait3A_127 = arith.constant 0 : i32
      %dma_wait3A_128 = tpu.memref_slice %arg2[%dma_wait3A_126, %dma_wait3A_127] : memref<12000x6272xf32, #tpu.memory_space<hbm>> -> memref<12000x6272xf32, #tpu.memory_space<hbm>>
      tpu.wait_indirect_dma semaphore(%arg9 : memref<!tpu.dma_semaphore, #tpu.memory_space<semaphore_mem>>) src(%dma_wait3A_128 : memref<12000x6272xf32, #tpu.memory_space<hbm>>) dst(%arg7 : memref<8x6272xf32, #tpu.memory_space<vmem>>)
      %mul3A_129 = arith.constant 8 : i32
      %mul3A_130 = arith.muli %mul3A_97, %mul3A_129 : i32
      %add3A_131 = arith.addi %mul3A_2, %mul3A_130 : i32
      %dma_wait3A_132 = arith.constant 0 : i32
      %dma_wait3A_133 = tpu.memref_slice %arg4[%add3A_131, %dma_wait3A_132] : memref<12000x6272xf32, #tpu.memory_space<hbm>> -> memref<8x6272xf32, #tpu.memory_space<hbm>>
      %dma_wait3A_134 = arith.constant 0 : i32
      %dma_wait3A_135 = tpu.memref_slice %arg4[%add3A_131, %dma_wait3A_134] : memref<12000x6272xf32, #tpu.memory_space<hbm>> -> memref<8x6272xf32, #tpu.memory_space<hbm>>
      tpu.wait_dma2 semaphore(%arg10 : memref<!tpu.dma_semaphore, #tpu.memory_space<semaphore_mem>>) src(%arg6 : memref<8x6272xf32, #tpu.memory_space<vmem>>) dst(%dma_wait3A_135 : memref<8x6272xf32, #tpu.memory_space<hbm>>)
      %add3A_136 = arith.constant 2 : i32
      %add3A_137 = arith.addi %mul3A_97, %add3A_136 : i32
      %mul3A_138 = arith.constant 8 : i32
      %mul3A_139 = arith.muli %add3A_137, %mul3A_138 : i32
      %dma_start3A_140 = tpu.memref_slice %arg5[%mul3A_139] : memref<376xi32, #tpu.memory_space<vmem>> -> memref<8xi32, #tpu.memory_space<vmem>>
      %dma_start3A_141 = arith.constant 0 : i32
      %dma_start3A_142 = arith.constant 0 : i32
      %dma_start3A_143 = tpu.memref_slice %arg2[%dma_start3A_141, %dma_start3A_142] : memref<12000x6272xf32, #tpu.memory_space<hbm>> -> memref<12000x6272xf32, #tpu.memory_space<hbm>>
      tpu.enqueue_indirect_dma source(%dma_start3A_143 : memref<12000x6272xf32, #tpu.memory_space<hbm>>) target(%arg6 : memref<8x6272xf32, #tpu.memory_space<vmem>>) offsets(%dma_start3A_140 : memref<8xi32, #tpu.memory_space<vmem>>) semaphore(%arg8 : memref<!tpu.dma_semaphore, #tpu.memory_space<semaphore_mem>>)
      %add3A_144 = arith.constant 1 : i32
      %add3A_145 = arith.addi %mul3A_97, %add3A_144 : i32
      %mul3A_146 = arith.constant 8 : i32
      %mul3A_147 = arith.muli %add3A_145, %mul3A_146 : i32
      %add3A_148 = arith.addi %mul3A_2, %mul3A_147 : i32
      %dma_start3A_149 = arith.constant 0 : i32
      %dma_start3A_150 = tpu.memref_slice %arg4[%add3A_148, %dma_start3A_149] : memref<12000x6272xf32, #tpu.memory_space<hbm>> -> memref<8x6272xf32, #tpu.memory_space<hbm>>
      %dma_start3A_151 = arith.constant 0 : i32
      %dma_start3A_152 = tpu.memref_slice %arg4[%add3A_148, %dma_start3A_151] : memref<12000x6272xf32, #tpu.memory_space<hbm>> -> memref<8x6272xf32, #tpu.memory_space<hbm>>
      tpu.enqueue_dma source(%arg7 : memref<8x6272xf32, #tpu.memory_space<vmem>>) target(%dma_start3A_152 : memref<8x6272xf32, #tpu.memory_space<hbm>>) target_semaphore(%arg11 : memref<!tpu.dma_semaphore, #tpu.memory_space<semaphore_mem>>)
    }
    %sub3A_61 = arith.constant 1 : i32
    %sub3A_62 = arith.subi %select_n3A, %sub3A_61 : i32
    %mul3A_63 = arith.constant 8 : i32
    %mul3A_64 = arith.muli %sub3A_62, %mul3A_63 : i32
    %dma_wait3A = tpu.memref_slice %arg5[%mul3A_64] : memref<376xi32, #tpu.memory_space<vmem>> -> memref<8xi32, #tpu.memory_space<vmem>>
    %dma_wait3A_65 = arith.constant 0 : i32
    %dma_wait3A_66 = arith.constant 0 : i32
    %dma_wait3A_67 = tpu.memref_slice %arg2[%dma_wait3A_65, %dma_wait3A_66] : memref<12000x6272xf32, #tpu.memory_space<hbm>> -> memref<12000x6272xf32, #tpu.memory_space<hbm>>
    tpu.wait_indirect_dma semaphore(%arg8 : memref<!tpu.dma_semaphore, #tpu.memory_space<semaphore_mem>>) src(%dma_wait3A_67 : memref<12000x6272xf32, #tpu.memory_space<hbm>>) dst(%arg6 : memref<8x6272xf32, #tpu.memory_space<vmem>>)
    %sub3A_68 = arith.constant 2 : i32
    %sub3A_69 = arith.subi %select_n3A, %sub3A_68 : i32
    %mul3A_70 = arith.constant 8 : i32
    %mul3A_71 = arith.muli %sub3A_69, %mul3A_70 : i32
    %add3A_72 = arith.addi %mul3A_2, %mul3A_71 : i32
    %dma_wait3A_73 = arith.constant 0 : i32
    %dma_wait3A_74 = tpu.memref_slice %arg4[%add3A_72, %dma_wait3A_73] : memref<12000x6272xf32, #tpu.memory_space<hbm>> -> memref<8x6272xf32, #tpu.memory_space<hbm>>
    %dma_wait3A_75 = arith.constant 0 : i32
    %dma_wait3A_76 = tpu.memref_slice %arg4[%add3A_72, %dma_wait3A_75] : memref<12000x6272xf32, #tpu.memory_space<hbm>> -> memref<8x6272xf32, #tpu.memory_space<hbm>>
    tpu.wait_dma2 semaphore(%arg11 : memref<!tpu.dma_semaphore, #tpu.memory_space<semaphore_mem>>) src(%arg7 : memref<8x6272xf32, #tpu.memory_space<vmem>>) dst(%dma_wait3A_76 : memref<8x6272xf32, #tpu.memory_space<hbm>>)
    %sub3A_77 = arith.constant 1 : i32
    %sub3A_78 = arith.subi %select_n3A, %sub3A_77 : i32
    %mul3A_79 = arith.constant 8 : i32
    %mul3A_80 = arith.muli %sub3A_78, %mul3A_79 : i32
    %add3A_81 = arith.addi %mul3A_2, %mul3A_80 : i32
    %dma_start3A_82 = arith.constant 0 : i32
    %dma_start3A_83 = tpu.memref_slice %arg4[%add3A_81, %dma_start3A_82] : memref<12000x6272xf32, #tpu.memory_space<hbm>> -> memref<8x6272xf32, #tpu.memory_space<hbm>>
    %dma_start3A_84 = arith.constant 0 : i32
    %dma_start3A_85 = tpu.memref_slice %arg4[%add3A_81, %dma_start3A_84] : memref<12000x6272xf32, #tpu.memory_space<hbm>> -> memref<8x6272xf32, #tpu.memory_space<hbm>>
    tpu.enqueue_dma source(%arg6 : memref<8x6272xf32, #tpu.memory_space<vmem>>) target(%dma_start3A_85 : memref<8x6272xf32, #tpu.memory_space<hbm>>) target_semaphore(%arg10 : memref<!tpu.dma_semaphore, #tpu.memory_space<semaphore_mem>>)
    %sub3A_86 = arith.constant 1 : i32
    %sub3A_87 = arith.subi %select_n3A, %sub3A_86 : i32
    %mul3A_88 = arith.constant 8 : i32
    %mul3A_89 = arith.muli %sub3A_87, %mul3A_88 : i32
    %add3A_90 = arith.addi %mul3A_2, %mul3A_89 : i32
    %dma_wait3A_91 = arith.constant 0 : i32
    %dma_wait3A_92 = tpu.memref_slice %arg4[%add3A_90, %dma_wait3A_91] : memref<12000x6272xf32, #tpu.memory_space<hbm>> -> memref<8x6272xf32, #tpu.memory_space<hbm>>
    %dma_wait3A_93 = arith.constant 0 : i32
    %dma_wait3A_94 = tpu.memref_slice %arg4[%add3A_90, %dma_wait3A_93] : memref<12000x6272xf32, #tpu.memory_space<hbm>> -> memref<8x6272xf32, #tpu.memory_space<hbm>>
    tpu.wait_dma2 semaphore(%arg10 : memref<!tpu.dma_semaphore, #tpu.memory_space<semaphore_mem>>) src(%arg6 : memref<8x6272xf32, #tpu.memory_space<vmem>>) dst(%dma_wait3A_94 : memref<8x6272xf32, #tpu.memory_space<hbm>>)
    return
  }
}

module attributes {stable_mosaic.version = 14 : i64} {
  func.func @_small_body(%arg0: memref<512x32xf32, #tpu.memory_space<vmem>>, %arg1: memref<32x512xf32, #tpu.memory_space<vmem>>, %arg2: memref<512x32xf32, #tpu.memory_space<vmem>>, %arg3: memref<512x256xf32, #tpu.memory_space<vmem>>, %arg4: memref<1x256xf32, #tpu.memory_space<vmem>>, %arg5: memref<512x256xf32, #tpu.memory_space<vmem>>, %arg6: memref<512x1xi32, #tpu.memory_space<vmem>>, %arg7: memref<512x24xi32, #tpu.memory_space<vmem>>, %arg8: memref<1x1xi32, #tpu.memory_space<vmem>>) attributes {dimension_semantics = [], scalar_prefetch = 0 : i64, scratch_operands = 0 : i64, tpu.core_type = #tpu.core_type<tc>} {
    %get3A = arith.constant 0 : index
    %get3A_0 = arith.constant 0 : index
    %get3A_1 = vector.load %arg0[%get3A, %get3A_0] : memref<512x32xf32, #tpu.memory_space<vmem>>, vector<512x32xf32>
    %get3A_2 = arith.constant 0 : index
    %get3A_3 = arith.constant 0 : index
    %get3A_4 = vector.load %arg2[%get3A_2, %get3A_3] : memref<512x32xf32, #tpu.memory_space<vmem>>, vector<512x32xf32>
    %reduce_max3A = arith.constant dense<0xFF800000> : vector<512xf32>
    %reduce_max3A_5 = vector.multi_reduction <maximumf>, %get3A_1, %reduce_max3A [1] : vector<512x32xf32> to vector<512xf32>
    %broadcast_in_dim3A = vector.shape_cast %reduce_max3A_5 : vector<512xf32> to vector<512x1xf32>
    %get3A_6 = arith.constant 0 : index
    %get3A_7 = arith.constant 0 : index
    %get3A_8 = vector.load %arg1[%get3A_6, %get3A_7] : memref<32x512xf32, #tpu.memory_space<vmem>>, vector<32x512xf32>
    %reduce_max3A_9 = arith.constant dense<0xFF800000> : vector<512xf32>
    %reduce_max3A_10 = vector.multi_reduction <maximumf>, %get3A_8, %reduce_max3A_9 [0] : vector<32x512xf32> to vector<512xf32>
    %broadcast_in_dim3A_11 = vector.shape_cast %reduce_max3A_10 : vector<512xf32> to vector<1x512xf32>
    %iota3A = tpu.iota {dimensions = array<i32: 0>} : vector<512x512xi32>
    %iota3A_12 = tpu.iota {dimensions = array<i32: 1>} : vector<512x512xi32>
    %lt3A = vector.broadcast %broadcast_in_dim3A : vector<512x1xf32> to vector<512x512xf32>
    %lt3A_13 = vector.broadcast %broadcast_in_dim3A_11 : vector<1x512xf32> to vector<512x512xf32>
    %lt3A_14 = arith.cmpf olt, %lt3A, %lt3A_13 : vector<512x512xf32>
    %eq3A = vector.broadcast %broadcast_in_dim3A : vector<512x1xf32> to vector<512x512xf32>
    %eq3A_15 = vector.broadcast %broadcast_in_dim3A_11 : vector<1x512xf32> to vector<512x512xf32>
    %eq3A_16 = arith.cmpf oeq, %eq3A, %eq3A_15 : vector<512x512xf32>
    %lt3A_17 = arith.cmpi slt, %iota3A, %iota3A_12 : vector<512x512xi32>
    %and3A = arith.andi %eq3A_16, %lt3A_17 : vector<512x512xi1>
    %or3A = arith.ori %lt3A_14, %and3A : vector<512x512xi1>
    %convert_element_type3A = arith.extui %or3A : vector<512x512xi1> to vector<512x512xi32>
    %reduce_sum3A = arith.constant dense<0> : vector<512xi32>
    %reduce_sum3A_18 = vector.multi_reduction <add>, %convert_element_type3A, %reduce_sum3A [0] : vector<512x512xi32> to vector<512xi32>
    %broadcast_in_dim3A_19 = vector.shape_cast %reduce_sum3A_18 : vector<512xi32> to vector<1x512xi32>
    %iota3A_20 = tpu.iota {dimensions = array<i32: 0>} : vector<512x1xi32>
    %eq3A_21 = vector.broadcast %broadcast_in_dim3A_19 : vector<1x512xi32> to vector<512x512xi32>
    %eq3A_22 = vector.broadcast %iota3A_20 : vector<512x1xi32> to vector<512x512xi32>
    %eq3A_23 = arith.cmpi eq, %eq3A_21, %eq3A_22 : vector<512x512xi32>
    %jit3A = arith.constant 0 : i32
    %broadcast_in_dim3A_24 = vector.broadcast %jit3A : i32 to vector<512x512xi32>
    %select_n3A = arith.select %eq3A_23, %iota3A_12, %broadcast_in_dim3A_24 : vector<512x512xi1>, vector<512x512xi32>
    %reduce_sum3A_25 = arith.constant dense<0> : vector<512xi32>
    %reduce_sum3A_26 = vector.multi_reduction <add>, %select_n3A, %reduce_sum3A_25 [1] : vector<512x512xi32> to vector<512xi32>
    %broadcast_in_dim3A_27 = vector.shape_cast %reduce_sum3A_26 : vector<512xi32> to vector<512x1xi32>
    %convert_element_type3A_28 = arith.extui %eq3A_23 : vector<512x512xi1> to vector<512x512xi32>
    %convert_element_type3A_29 = arith.sitofp %convert_element_type3A_28 : vector<512x512xi32> to vector<512x512xf32>
    %get3A_30 = arith.constant 0 : index
    %get3A_31 = arith.constant 0 : index
    %get3A_32 = vector.load %arg3[%get3A_30, %get3A_31] : memref<512x256xf32, #tpu.memory_space<vmem>>, vector<512x256xf32>
    %dot_general3A = arith.constant dense<0.000000e+00> : vector<512x256xf32>
    %dot_general3A_33 = tpu.matmul %convert_element_type3A_29, %get3A_32, %dot_general3A {dimension_numbers = #tpu.dot_dimension_numbers<[1], [0], [0], [1], [0, 0, 1, 1], [], []>, precision = #tpu.contract_precision<fp32>, transpose_lhs_hint = false} : vector<512x512xf32>, vector<512x256xf32>, vector<512x256xf32> -> vector<512x256xf32>
    %eq3A_34 = arith.constant 499 : i32
    %eq3A_35 = vector.broadcast %eq3A_34 : i32 to vector<512x1xi32>
    %eq3A_36 = arith.cmpi eq, %iota3A_20, %eq3A_35 : vector<512x1xi32>
    %jit3A_37 = arith.constant 0 : i32
    %broadcast_in_dim3A_38 = vector.broadcast %jit3A_37 : i32 to vector<512x1xi32>
    %select_n3A_39 = arith.select %eq3A_36, %broadcast_in_dim3A_27, %broadcast_in_dim3A_38 : vector<512x1xi1>, vector<512x1xi32>
    %reduce_sum3A_40 = vector.shape_cast %select_n3A_39 : vector<512x1xi32> to vector<1x512x1xi32>
    %reduce_sum3A_41 = arith.constant dense<0> : vector<1xi32>
    %reduce_sum3A_42 = vector.multi_reduction <add>, %reduce_sum3A_40, %reduce_sum3A_41 [1, 2] : vector<1x512x1xi32> to vector<1xi32>
    %reduce_sum3A_43 = vector.shape_cast %reduce_sum3A_42 : vector<1xi32> to vector<1x1x1xi32>
    %reduce_sum3A_44 = vector.extract %reduce_sum3A_43[0, 0, 0] : i32 from vector<1x1x1xi32>
    %eq3A_45 = vector.broadcast %reduce_sum3A_44 : i32 to vector<512x1xi32>
    %eq3A_46 = arith.cmpi eq, %iota3A_20, %eq3A_45 : vector<512x1xi32>
    %jit3A_47 = arith.constant 0 : i32
    %broadcast_in_dim3A_48 = vector.broadcast %jit3A_47 : i32 to vector<512x1xi32>
    %select_n3A_49 = arith.select %eq3A_46, %broadcast_in_dim3A_27, %broadcast_in_dim3A_48 : vector<512x1xi1>, vector<512x1xi32>
    %reduce_sum3A_50 = vector.shape_cast %select_n3A_49 : vector<512x1xi32> to vector<1x512x1xi32>
    %reduce_sum3A_51 = arith.constant dense<0> : vector<1xi32>
    %reduce_sum3A_52 = vector.multi_reduction <add>, %reduce_sum3A_50, %reduce_sum3A_51 [1, 2] : vector<1x512x1xi32> to vector<1xi32>
    %reduce_sum3A_53 = vector.shape_cast %reduce_sum3A_52 : vector<1xi32> to vector<1x1x1xi32>
    %reduce_sum3A_54 = vector.extract %reduce_sum3A_53[0, 0, 0] : i32 from vector<1x1x1xi32>
    %iota3A_55 = tpu.iota {dimensions = array<i32: 0>} : vector<512x32xi32>
    %eq3A_56 = vector.broadcast %reduce_sum3A_54 : i32 to vector<512x32xi32>
    %eq3A_57 = arith.cmpi eq, %iota3A_55, %eq3A_56 : vector<512x32xi32>
    %jit3A_58 = arith.constant -3.000000e+38 : f32
    %broadcast_in_dim3A_59 = vector.broadcast %jit3A_58 : f32 to vector<512x32xf32>
    %select_n3A_60 = arith.select %eq3A_57, %get3A_1, %broadcast_in_dim3A_59 : vector<512x32xi1>, vector<512x32xf32>
    %reduce_max3A_61 = vector.shape_cast %select_n3A_60 : vector<512x32xf32> to vector<1x512x32xf32>
    %reduce_max3A_62 = arith.constant dense<0xFF800000> : vector<1xf32>
    %reduce_max3A_63 = vector.multi_reduction <maximumf>, %reduce_max3A_61, %reduce_max3A_62 [1, 2] : vector<1x512x32xf32> to vector<1xf32>
    %reduce_max3A_64 = vector.shape_cast %reduce_max3A_63 : vector<1xf32> to vector<1x1x1xf32>
    %reduce_max3A_65 = vector.extract %reduce_max3A_64[0, 0, 0] : f32 from vector<1x1x1xf32>
    %eq3A_66 = vector.broadcast %reduce_sum3A_54 : i32 to vector<512x32xi32>
    %eq3A_67 = arith.cmpi eq, %iota3A_55, %eq3A_66 : vector<512x32xi32>
    %jit3A_68 = arith.constant -3.000000e+38 : f32
    %broadcast_in_dim3A_69 = vector.broadcast %jit3A_68 : f32 to vector<512x32xf32>
    %select_n3A_70 = arith.select %eq3A_67, %get3A_4, %broadcast_in_dim3A_69 : vector<512x32xi1>, vector<512x32xf32>
    %reduce_max3A_71 = vector.shape_cast %select_n3A_70 : vector<512x32xf32> to vector<1x512x32xf32>
    %reduce_max3A_72 = arith.constant dense<0xFF800000> : vector<1xf32>
    %reduce_max3A_73 = vector.multi_reduction <maximumf>, %reduce_max3A_71, %reduce_max3A_72 [1, 2] : vector<1x512x32xf32> to vector<1xf32>
    %reduce_max3A_74 = vector.shape_cast %reduce_max3A_73 : vector<1xf32> to vector<1x1x1xf32>
    %reduce_max3A_75 = vector.extract %reduce_max3A_74[0, 0, 0] : f32 from vector<1x1x1xf32>
    %get3A_76 = arith.constant 0 : index
    %get3A_77 = arith.constant 0 : index
    %get3A_78 = vector.load %arg4[%get3A_76, %get3A_77] : memref<1x256xf32, #tpu.memory_space<vmem>>, vector<1x256xf32>
    %iota3A_79 = tpu.iota {dimensions = array<i32: 1>} : vector<1x256xi32>
    %lt3A_80 = arith.constant 20 : i32
    %lt3A_81 = vector.broadcast %lt3A_80 : i32 to vector<1x256xi32>
    %lt3A_82 = arith.cmpi slt, %iota3A_79, %lt3A_81 : vector<1x256xi32>
    %jit3A_83 = arith.constant -3.000000e+38 : f32
    %broadcast_in_dim3A_84 = vector.broadcast %jit3A_83 : f32 to vector<1x256xf32>
    %select_n3A_85 = arith.select %lt3A_82, %get3A_78, %broadcast_in_dim3A_84 : vector<1x256xi1>, vector<1x256xf32>
    %reduce_max3A_86 = vector.shape_cast %select_n3A_85 : vector<1x256xf32> to vector<1x1x256xf32>
    %reduce_max3A_87 = arith.constant dense<0xFF800000> : vector<1xf32>
    %reduce_max3A_88 = vector.multi_reduction <maximumf>, %reduce_max3A_86, %reduce_max3A_87 [1, 2] : vector<1x1x256xf32> to vector<1xf32>
    %reduce_max3A_89 = vector.shape_cast %reduce_max3A_88 : vector<1xf32> to vector<1x1x1xf32>
    %reduce_max3A_90 = vector.extract %reduce_max3A_89[0, 0, 0] : f32 from vector<1x1x1xf32>
    %ge3A = arith.constant 20 : i32
    %ge3A_91 = vector.broadcast %ge3A : i32 to vector<1x256xi32>
    %ge3A_92 = arith.cmpi sge, %iota3A_79, %ge3A_91 : vector<1x256xi32>
    %lt3A_93 = arith.constant 40 : i32
    %lt3A_94 = vector.broadcast %lt3A_93 : i32 to vector<1x256xi32>
    %lt3A_95 = arith.cmpi slt, %iota3A_79, %lt3A_94 : vector<1x256xi32>
    %and3A_96 = arith.andi %ge3A_92, %lt3A_95 : vector<1x256xi1>
    %jit3A_97 = arith.constant -3.000000e+38 : f32
    %broadcast_in_dim3A_98 = vector.broadcast %jit3A_97 : f32 to vector<1x256xf32>
    %select_n3A_99 = arith.select %and3A_96, %get3A_78, %broadcast_in_dim3A_98 : vector<1x256xi1>, vector<1x256xf32>
    %reduce_max3A_100 = vector.shape_cast %select_n3A_99 : vector<1x256xf32> to vector<1x1x256xf32>
    %reduce_max3A_101 = arith.constant dense<0xFF800000> : vector<1xf32>
    %reduce_max3A_102 = vector.multi_reduction <maximumf>, %reduce_max3A_100, %reduce_max3A_101 [1, 2] : vector<1x1x256xf32> to vector<1xf32>
    %reduce_max3A_103 = vector.shape_cast %reduce_max3A_102 : vector<1xf32> to vector<1x1x1xf32>
    %reduce_max3A_104 = vector.extract %reduce_max3A_103[0, 0, 0] : f32 from vector<1x1x1xf32>
    %ge3A_105 = arith.cmpf oge, %reduce_max3A_90, %reduce_max3A_65 : f32
    %gt3A = arith.cmpf ogt, %reduce_max3A_90, %reduce_max3A_65 : f32
    %gt3A_106 = arith.cmpf ogt, %reduce_max3A_104, %reduce_max3A_75 : f32
    %or3A_107 = arith.ori %gt3A, %gt3A_106 : i1
    %and3A_108 = arith.andi %ge3A_105, %or3A_107 : i1
    %iota3A_109 = tpu.iota {dimensions = array<i32: 0>} : vector<512x256xi32>
    %eq3A_110 = arith.constant 499 : i32
    %eq3A_111 = vector.broadcast %eq3A_110 : i32 to vector<512x256xi32>
    %eq3A_112 = arith.cmpi eq, %iota3A_109, %eq3A_111 : vector<512x256xi32>
    %and3A_113 = vector.broadcast %and3A_108 : i1 to vector<512x256xi1>
    %and3A_114 = arith.andi %eq3A_112, %and3A_113 : vector<512x256xi1>
    %broadcast_in_dim3A_115 = vector.shape_cast %get3A_78 : vector<1x256xf32> to vector<1x256xf32>
    %broadcast_in_dim3A_116 = vector.broadcast %broadcast_in_dim3A_115 : vector<1x256xf32> to vector<512x256xf32>
    %select_n3A_117 = arith.select %and3A_114, %broadcast_in_dim3A_116, %dot_general3A_33 : vector<512x256xi1>, vector<512x256xf32>
    %swap3A = arith.constant 0 : index
    %swap3A_118 = arith.constant 0 : index
    %swap3A_119 = vector.load %arg5[%swap3A, %swap3A_118] : memref<512x256xf32, #tpu.memory_space<vmem>>, vector<512x256xf32>
    tpu.vector_store %arg5[%swap3A, %swap3A_118], %select_n3A_117 {strides = array<i32>} : memref<512x256xf32, #tpu.memory_space<vmem>>, vector<512x256xf32>,
    %swap3A_120 = arith.constant 0 : index
    %swap3A_121 = arith.constant 0 : index
    %swap3A_122 = vector.load %arg6[%swap3A_120, %swap3A_121] : memref<512x1xi32, #tpu.memory_space<vmem>>, vector<512x1xi32>
    tpu.vector_store %arg6[%swap3A_120, %swap3A_121], %broadcast_in_dim3A_27 {strides = array<i32>} : memref<512x1xi32, #tpu.memory_space<vmem>>, vector<512x1xi32>,
    %iota3A_123 = tpu.iota {dimensions = array<i32: 1>} : vector<512x24xi32>
    %mul3A = arith.constant 24 : i32
    %mul3A_124 = vector.broadcast %mul3A : i32 to vector<512x1xi32>
    %mul3A_125 = arith.muli %broadcast_in_dim3A_27, %mul3A_124 : vector<512x1xi32>
    %add3A = vector.broadcast %mul3A_125 : vector<512x1xi32> to vector<512x24xi32>
    %add3A_126 = arith.addi %add3A, %iota3A_123 : vector<512x24xi32>
    %swap3A_127 = arith.constant 0 : index
    %swap3A_128 = arith.constant 0 : index
    %swap3A_129 = vector.load %arg7[%swap3A_127, %swap3A_128] : memref<512x24xi32, #tpu.memory_space<vmem>>, vector<512x24xi32>
    tpu.vector_store %arg7[%swap3A_127, %swap3A_128], %add3A_126 {strides = array<i32>} : memref<512x24xi32, #tpu.memory_space<vmem>>, vector<512x24xi32>,
    %convert_element_type3A_130 = arith.extui %and3A_108 : i1 to i32
    %broadcast_in_dim3A_131 = vector.broadcast %convert_element_type3A_130 : i32 to vector<1x1xi32>
    %swap3A_132 = arith.constant 0 : index
    %swap3A_133 = arith.constant 0 : index
    %swap3A_134 = vector.load %arg8[%swap3A_132, %swap3A_133] : memref<1x1xi32, #tpu.memory_space<vmem>>, vector<1x1xi32>
    tpu.vector_store %arg8[%swap3A_132, %swap3A_133], %broadcast_in_dim3A_131 {strides = array<i32>} : memref<1x1xi32, #tpu.memory_space<vmem>>, vector<1x1xi32>,
    return
  }
}

module attributes {stable_mosaic.version = 14 : i64} {
  func.func @_fix_body(%arg0: i32, %arg1: memref<1x1176x128xf32, #tpu.memory_space<vmem>>, %arg2: memref<1x1176x128xf32, #tpu.memory_space<vmem>>, %arg3: memref<1x1176x128xf32, #tpu.memory_space<vmem>>, %arg4: memref<1x1176x128xf32, #tpu.memory_space<vmem>>, %arg5: memref<1x1xi32, #tpu.memory_space<vmem>>, %arg6: memref<1x1176x128xf32, #tpu.memory_space<vmem>>, %arg7: memref<1x1176x128xf32, #tpu.memory_space<vmem>>) attributes {dimension_semantics = [#tpu.dimension_semantics<arbitrary>], iteration_bounds = array<i64: 1>, scalar_prefetch = 0 : i64, scratch_operands = 0 : i64, tpu.core_type = #tpu.core_type<tc>, window_params = [{transform_indices = @transform_0, window_bounds = array<i64: 1, 1176, 128>}, {transform_indices = @transform_1, window_bounds = array<i64: 1, 1176, 128>}, {pipeline_mode = #tpu.pipeline_mode<synchronous>, transform_indices = @transform_2, window_bounds = array<i64: 1, 1176, 128>}, {pipeline_mode = #tpu.pipeline_mode<synchronous>, transform_indices = @transform_3, window_bounds = array<i64: 1, 1176, 128>}, {pipeline_mode = #tpu.pipeline_mode<synchronous>, transform_indices = @transform_4, window_bounds = array<i64: 1, 1>}, {transform_indices = @transform_5, window_bounds = array<i64: 1, 1176, 128>}, {transform_indices = @transform_6, window_bounds = array<i64: 1, 1176, 128>}]} {
    %get3A = arith.constant 0 : index
    %get3A_0 = arith.constant 0 : index
    %get3A_1 = vector.load %arg5[%get3A, %get3A_0] : memref<1x1xi32, #tpu.memory_space<vmem>>, vector<1x1xi32>
    %get3A_2 = vector.extract %get3A_1[0, 0] : i32 from vector<1x1xi32>
    %eq3A = arith.constant 1 : i32
    %eq3A_3 = arith.cmpi eq, %get3A_2, %eq3A : i32
    %get3A_4 = arith.constant 0 : index
    %get3A_5 = arith.constant 0 : index
    %get3A_6 = arith.constant 0 : index
    %get3A_7 = vector.load %arg3[%get3A_4, %get3A_5, %get3A_6] : memref<1x1176x128xf32, #tpu.memory_space<vmem>>, vector<1x1176x128xf32>
    %get3A_8 = arith.constant 0 : index
    %get3A_9 = arith.constant 0 : index
    %get3A_10 = arith.constant 0 : index
    %get3A_11 = vector.load %arg1[%get3A_8, %get3A_9, %get3A_10] : memref<1x1176x128xf32, #tpu.memory_space<vmem>>, vector<1x1176x128xf32>
    %select_n3A = arith.select %eq3A_3, %get3A_7, %get3A_11 : vector<1x1176x128xf32>
    %swap3A = arith.constant 0 : index
    %swap3A_12 = arith.constant 0 : index
    %swap3A_13 = arith.constant 0 : index
    %swap3A_14 = vector.load %arg6[%swap3A, %swap3A_12, %swap3A_13] : memref<1x1176x128xf32, #tpu.memory_space<vmem>>, vector<1x1176x128xf32>
    tpu.vector_store %arg6[%swap3A, %swap3A_12, %swap3A_13], %select_n3A {strides = array<i32>} : memref<1x1176x128xf32, #tpu.memory_space<vmem>>, vector<1x1176x128xf32>,
    %get3A_15 = arith.constant 0 : index
    %get3A_16 = arith.constant 0 : index
    %get3A_17 = arith.constant 0 : index
    %get3A_18 = vector.load %arg4[%get3A_15, %get3A_16, %get3A_17] : memref<1x1176x128xf32, #tpu.memory_space<vmem>>, vector<1x1176x128xf32>
    %get3A_19 = arith.constant 0 : index
    %get3A_20 = arith.constant 0 : index
    %get3A_21 = arith.constant 0 : index
    %get3A_22 = vector.load %arg2[%get3A_19, %get3A_20, %get3A_21] : memref<1x1176x128xf32, #tpu.memory_space<vmem>>, vector<1x1176x128xf32>
    %select_n3A_23 = arith.select %eq3A_3, %get3A_18, %get3A_22 : vector<1x1176x128xf32>
    %swap3A_24 = arith.constant 0 : index
    %swap3A_25 = arith.constant 0 : index
    %swap3A_26 = arith.constant 0 : index
    %swap3A_27 = vector.load %arg7[%swap3A_24, %swap3A_25, %swap3A_26] : memref<1x1176x128xf32, #tpu.memory_space<vmem>>, vector<1x1176x128xf32>
    tpu.vector_store %arg7[%swap3A_24, %swap3A_25, %swap3A_26], %select_n3A_23 {strides = array<i32>} : memref<1x1176x128xf32, #tpu.memory_space<vmem>>, vector<1x1176x128xf32>,
    return
  }
  func.func @transform_0(%arg0: i32) -> (i32, i32, i32) {
    %c499_i32 = arith.constant 499 : i32
    %c0_i32 = arith.constant 0 : i32
    %c0_i32_0 = arith.constant 0 : i32
    %c0_i32_1 = arith.constant 0 : i32
    return %c499_i32, %c0_i32, %c0_i32_0 : i32, i32, i32
  }
  func.func @transform_1(%arg0: i32) -> (i32, i32, i32) {
    %c499_i32 = arith.constant 499 : i32
    %c0_i32 = arith.constant 0 : i32
    %c0_i32_0 = arith.constant 0 : i32
    %c0_i32_1 = arith.constant 0 : i32
    return %c499_i32, %c0_i32, %c0_i32_0 : i32, i32, i32
  }
  func.func @transform_2(%arg0: i32) -> (i32, i32, i32) {
    %c0_i32 = arith.constant 0 : i32
    %c0_i32_0 = arith.constant 0 : i32
    %c0_i32_1 = arith.constant 0 : i32
    %c0_i32_2 = arith.constant 0 : i32
    return %c0_i32, %c0_i32_0, %c0_i32_1 : i32, i32, i32
  }
  func.func @transform_3(%arg0: i32) -> (i32, i32, i32) {
    %c0_i32 = arith.constant 0 : i32
    %c0_i32_0 = arith.constant 0 : i32
    %c0_i32_1 = arith.constant 0 : i32
    %c0_i32_2 = arith.constant 0 : i32
    return %c0_i32, %c0_i32_0, %c0_i32_1 : i32, i32, i32
  }
  func.func @transform_4(%arg0: i32) -> (i32, i32) {
    %c0_i32 = arith.constant 0 : i32
    %c0_i32_0 = arith.constant 0 : i32
    %c0_i32_1 = arith.constant 0 : i32
    return %c0_i32, %c0_i32_0 : i32, i32
  }
  func.func @transform_5(%arg0: i32) -> (i32, i32, i32) {
    %c499_i32 = arith.constant 499 : i32
    %c0_i32 = arith.constant 0 : i32
    %c0_i32_0 = arith.constant 0 : i32
    %c0_i32_1 = arith.constant 0 : i32
    return %c499_i32, %c0_i32, %c0_i32_0 : i32, i32, i32
  }
  func.func @transform_6(%arg0: i32) -> (i32, i32, i32) {
    %c499_i32 = arith.constant 499 : i32
    %c0_i32 = arith.constant 0 : i32
    %c0_i32_0 = arith.constant 0 : i32
    %c0_i32_1 = arith.constant 0 : i32
    return %c499_i32, %c0_i32, %c0_i32_0 : i32, i32, i32
  }
}

</mosaic_0001>

<sc_bundles>
// kernel: kernel.6.cloned.1.call-start
scs
__scs_entry_jumppad:
0x0: {  	(pc) =	sbr.rel $0x88, $3  }
0x1: {  	(tag) =	ssettag $0x0;
	lr =	simm.s32 $0x1  }
0x2: {  	[smem:$0x3F93] =	sst lr;
	_ =	strace $0xD0000000  }
0x3: {  	_ = 	snop  }
0x4: {  	_ = 	snop  }
0x5: {  	_ = 	snop  }
0x6: {  	_ = 	snop  }
0x7: {  	_ = 	snop  }
__scs_overlays_trampoline_lowered:
0x8: {  	[smem:$0x3FA2] =	sst s0  }
0x9: {  	[smem:$0x3FA3] =	sst s1  }
0xa: {  	[smem:$0x3FA4] =	sst s2  }
0xb: {  	[smem:$0x3FA5] =	sst s3  }
0xc: {  	[smem:$0x3FA6] =	sst s4  }
0xd: {  	[smem:$0x3FA7] =	sst s5  }
0xe: {  	[smem:$0x3FA8] =	sst s6  }
0xf: {  	[smem:$0x3FA9] =	sst s7  }
0x10: {  	[smem:$0x3FAA] =	sst s8  }
0x11: {  	[smem:$0x3FAB] =	sst s9;
	s0 =	simm.s32 @!p0 $0x0  }
0x12: {  	s1 =	sld [smem:$0x3F91];
	s0 =	simm.s32 @p0 $0x1  }
0x13: {  	[smem:$0x3FAC] =	sst s0;
	s0 =	simm.s32 @!p1 $0x0  }
0x14: {  	s2 =	sld [smem:$0x3F90];
	s0 =	simm.s32 @p1 $0x1  }
0x15: {  	[smem:$0x3FAD] =	sst s0;
	s0 =	simm.s32 @!p2 $0x0  }
0x16: {  	s3 =	sld [smem:$0x3FDB];
	s0 =	simm.s32 @p2 $0x1  }
0x17: {  	s4 =	simm.s32 $0x1BF5;
	[smem:$0x3FAF] =	sst s0  }
0x18: {  	s0 =	sld [smem:$0x3F92];
	_ =	swait.ge [sflag:s4], $0x0  }
0x19: {  	s7 =	sld [smem:$0x3F93]  }
0x1a: {  	s8 =	sadd.s32 $0xFFFFE003, lr  }
0x1b: {  	s9 =	sadd.s32 $0xFFFFFEF7, lr;
	s5 =	simm.s32 $0xFFFFFFFF;
	p2 =	slt.u32 s8, $0xFFFFF086  }
0x1c: {  	p1 =	slt.u32 s9, $0xF7A;
	s5 =	simm.s32 @!p2 $0x0  }
0x1d: {  	s5 =	simm.s32 @p1 $0x1;
	p0 =	seq.s32 s7, s2  }
0x1e: {  	s7 =	smul.u32 @!p0 $0xF7A, s2;
	p2 =	seq.s32 @!p0 s5, $0x0  }
0x1f: {  	s9 =	smul.u32 $0xF7A, s1;
	s8 =	simm.s32 @!p0 $0x1BF5;
	p2 =	por !p2, p0  }
0x20: {  	[sflag:s8] =	ssyncset.s32 @!p0 $0xFFFFF086;
	s6 =	sadd.s32 @!p0 s3, s7;
	s7 =	simm.s32 @!p0 $0x108  }
0x21: {  	s3 =	sadd.s32 s3, s9;
	s6 =	sadd.s32 @!p0 $0x88, s6;
	s7 =	simm.s32 @p2 $0x1082  }
0x22: {  	[simem:s7], [sflag:s8] =	dma.local @!p0 [hbm:s6], $0xF7A  }
0x23: {  	s9 =	sor.u32 $0xD0000000, s2;
	s6 =	simm.s32 $0x108;
	_ =	swait.ge @!p0 [sflag:s8], $0x0  }
0x24: {  	s3 =	sadd.s32 $0x88, s3;
	s6 =	simm.s32 @!p1 $0x1082;
	[sflag:s4] =	ssyncset.s32 $0xFFFFF086  }
0x25: {  	[simem:s6], [sflag:s4] =	dma.local [hbm:s3], $0xF7A  }
0x26: {  	[smem:$0x3F93] =	sst s1;
	(tag) =	ssettag s2;
	_ =	strace s9  }
0x27: {  	s1 =	sld [smem:$0x3FA3]  }
0x28: {  	s2 =	sld [smem:$0x3FA4]  }
0x29: {  	s4 =	sld [smem:$0x3FA6]  }
0x2a: {  	p0 =	seq.s32 s5, $0x0;
	s5 =	sld [smem:$0x3FA7]  }
0x2b: {  	s6 =	sld [smem:$0x3FA8]  }
0x2c: {  	s7 =	sld [smem:$0x3FA9]  }
0x2d: {  	s3 =	simm.s32 $0x108;
	s8 =	sld [smem:$0x3FAA]  }
0x2e: {  	s3 =	simm.s32 @!p0 $0x1082;
	s9 =	sld [smem:$0x3FAB]  }
0x2f: {  	lr =	sadd.s32 s0, s3;
	s0 =	sld [smem:$0x3FA2]  }
0x30: {  	s3 =	sld [smem:$0x3FA5]  }
0x31: {  	[smem:$0x3FAE] =	sst s10  }
0x32: {  	s10 =	sld [smem:$0x3FAC];
	_ =	sdelay $0x3  }
0x33: {  	p0 =	seq.s32 s10, $0x1;
	s10 =	sld [smem:$0x3FAE];
	_ =	sdelay $0x3  }
0x34: {  	[smem:$0x3FAE] =	sst s10  }
0x35: {  	s10 =	sld [smem:$0x3FAD];
	_ =	sdelay $0x3  }
0x36: {  	p1 =	seq.s32 s10, $0x1;
	s10 =	sld [smem:$0x3FAE];
	_ =	sdelay $0x3  }
0x37: {  	[smem:$0x3FAE] =	sst s10  }
0x38: {  	s10 =	sld [smem:$0x3FAF]  }
0x39: {  	_ = 	snop;
	(pc) =	sbr.ind lr, $3  }
0x3a: {  	_ = 	snop  }
0x3b: {  	_ = 	snop  }
0x3c: {  	p2 =	seq.s32 s10, $0x1;
	s10 =	sld [smem:$0x3FAE]  }
0x3d: {  	_ =	shalt  }
0x3e: {  	_ =	shalt  }
0x3f: {  	_ =	shalt  }
0x40: {  	_ =	shalt  }
0x41: {  	_ =	shalt  }
0x42: {  	_ =	shalt  }
0x43: {  	_ =	shalt  }
0x44: {  	_ =	shalt  }
0x45: {  	_ =	shalt  }
0x46: {  	_ =	shalt  }
0x47: {  	_ =	shalt  }
0x48: {  	_ =	shalt  }
0x49: {  	_ =	shalt  }
0x4a: {  	_ =	shalt  }
0x4b: {  	_ =	shalt  }
0x4c: {  	_ =	shalt  }
0x4d: {  	_ =	shalt  }
0x4e: {  	_ =	shalt  }
0x4f: {  	_ =	shalt  }
0x50: {  	_ =	shalt  }
0x51: {  	_ =	shalt  }
0x52: {  	_ =	shalt  }
0x53: {  	_ =	shalt  }
0x54: {  	_ =	shalt  }
0x55: {  	_ =	shalt  }
0x56: {  	_ =	shalt  }
0x57: {  	_ =	shalt  }
0x58: {  	_ =	shalt  }
0x59: {  	_ =	shalt  }
0x5a: {  	_ =	shalt  }
0x5b: {  	_ =	shalt  }
0x5c: {  	_ =	shalt  }
0x5d: {  	_ =	shalt  }
0x5e: {  	_ =	shalt  }
0x5f: {  	_ =	shalt  }
0x60: {  	_ =	shalt  }
0x61: {  	_ =	shalt  }
0x62: {  	_ =	shalt  }
0x63: {  	_ =	shalt  }
0x64: {  	_ =	shalt  }
0x65: {  	_ =	shalt  }
0x66: {  	_ =	shalt  }
0x67: {  	_ =	shalt  }
0x68: {  	_ =	shalt  }
0x69: {  	_ =	shalt  }
0x6a: {  	_ =	shalt  }
0x6b: {  	_ =	shalt  }
0x6c: {  	_ =	shalt  }
0x6d: {  	_ =	shalt  }
0x6e: {  	_ =	shalt  }
0x6f: {  	_ =	shalt  }
0x70: {  	_ =	shalt  }
0x71: {  	_ =	shalt  }
0x72: {  	_ =	shalt  }
0x73: {  	_ =	shalt  }
0x74: {  	_ =	shalt  }
0x75: {  	_ =	shalt  }
0x76: {  	_ =	shalt  }
0x77: {  	_ =	shalt  }
0x78: {  	_ =	shalt  }
0x79: {  	_ =	shalt  }
0x7a: {  	_ =	shalt  }
0x7b: {  	_ =	shalt  }
0x7c: {  	_ =	shalt  }
0x7d: {  	_ =	shalt  }
0x7e: {  	_ =	shalt  }
0x7f: {  	_ =	shalt  }
0x80: {  	_ =	shalt  }
0x81: {  	_ =	shalt  }
0x82: {  	_ =	shalt  }
0x83: {  	_ =	shalt  }
0x84: {  	_ =	shalt  }
0x85: {  	_ =	shalt  }
0x86: {  	_ =	shalt  }
0x87: {  	_ =	shalt  }
.Lfunc_end0:
.L_simem_size_0:
called_computation_lowered:
.L_overlay_start_0:
0x88: {  	s2 =	sld [smem:$0x3FD9]  }
0x89: {  	s3 =	sld [smem:$0x3FFE];
	_ =	sdelay $0x1  }
0x8a: {  	s1 =	srdreg.scid  }
0x8b: {  	s0 =	sand.u32 $0x1, s1  }
0x8c: {  	s15 =	sshll.u32 s0, $0xA;
	s2 =	sadd.s32 s3, s2  }
0x8d: {  	s2 =	sadd.s32 s2, s15  }
0x8e: {  	[smem:$0x3FBA] =	sst s2  }
0x8f: {  	_ = 	snop  }
0x90: {  	s2 =	sld [smem:$0x3FD0];
	_ =	sdelay $0x2  }
0x91: {  	s16 =	simm.s32 $0xB;
	s4 =	simm.s32 $0x10  }
0x92: {  	[smem:s4], [sflag:s16] =	dma.local [hbm:s2], $0x1  }
0x93: {  	_ =	swait.eq [sflag:s16], $0x1  }
0x94: {  	[sflag:s16] =	ssyncset.done $0x0  }
0x95: {  	[sflag:s16] =	ssyncadd.s32 $0xFFFFFFFF  }
0x96: {  	s17 =	sld [smem:$0x11];
	(tm) =	ssettm $0x1  }
0x97: {  	s18 =	sld [smem:$0x3FFB];
	_ =	sdelay $0x3  }
0x98: {  	_ =	strace s18  }
0x99: {  	s2 =	sld [smem:$0x3FFC];
	_ =	sdelay $0x3  }
0x9a: {  	_ =	strace s2  }
0x9b: {  	s2 =	sld [smem:$0x3FFD];
	_ =	sdelay $0x3  }
0x9c: {  	_ =	strace s2  }
0x9d: {  	_ =	strace $0x8FFFFFFF  }
0x9e: {  	s19 =	sld [smem:$0x3FDB];
	_ =	sdelay $0x1  }
0x9f: {  	s20 =	simm.s32 $_scs_section_size  }
0xa0: {  	s5 =	simm.s32 $_size__tile_overlayer_lowered;
	s6 =	simm.s32 $_tile_overlayer_lowered  }
0xa1: {  	s7 =	simm.s32 $0x1BFF;
	s21 =	sshll.u32 s6, $0x1;
	s4 =	sadd.s32 s20, s19  }
0xa2: {  	s22 =	simm.s32 $0x0;
	s5 =	sshll.u32 s5, $0x1;
	s6 =	sadd.s32 s21, s4  }
0xa3: {  	[timem:s22], [sflag:s7] =	dma.local [hbm:s6], s5  }
0xa4: {  	_ =	swait.ge [sflag:s7], s5  }
0xa5: {  	s5 =	ssub.s32 $0x0, s5;
	[sflag:s7] =	ssyncset.done $0x0  }
0xa6: {  	[sflag:s7] =	ssyncadd.s32 s5;
	_ =	sdelay $0x1  }
0xa7: {  	s23 =	simm.s32 $0x1B8B  }
0xa8: {  	_ =	swait.ge [sflag:s23], $0x1  }
0xa9: {  	[sflag:s23] =	ssyncset.done $0x0  }
0xaa: {  	[sflag:s23] =	ssyncadd.s32 $0xFFFFFFFF  }
0xab: {  	s5 =	sld [smem:$0x0]  }
0xac: {  	s6 =	sand.u32 $0xFFFFFFFE, s1  }
0xad: {  	p0 =	sne.s32 s1, s6  }
0xae: {  	s6 =	sshll.u32 @p0 s6, $0xE  }
0xaf: {  	s6 =	sadd.s32 @p0 $0x11B8D, s6;
	s7 =	sshll.u32 @p0 s5, $0x11  }
0xb0: {  	s6 =	sor.u32 @p0 s7, s6  }
0xb1: {  	[sflag:s6] =	ssyncadd.remote.s32 @p0 $0x1;
	_ =	sdelay $0x1  }
0xb2: {  	s6 =	simm.s32 @p0 $0x1B8D  }
0xb3: {  	_ =	swait.eq @p0 [sflag:s6], $0x1  }
0xb4: {  	[sflag:s6] =	ssyncadd.s32 @p0 $0xFFFFFFFF  }
0xb5: {  	s7 =	sshll.u32 @!p0 s1, $0xE  }
0xb6: {  	s7 =	sor.u32 @!p0 $0x4000, s7;
	s6 =	simm.s32 @!p0 $0x1B8D  }
0xb7: {  	s5 =	sshll.u32 @!p0 s5, $0x11;
	s7 =	sadd.s32 @!p0 $0x11B8D, s7;
	_ =	swait.eq @!p0 [sflag:s6], $0x1  }
0xb8: {  	s5 =	sor.u32 @!p0 s5, s7;
	[sflag:s6] =	ssyncadd.s32 @!p0 $0xFFFFFFFF  }
0xb9: {  	s25 =	simm.s32 $0x1B8E;
	s24 =	sld [smem:$0x3FFE];
	[sflag:s5] =	ssyncadd.remote.s32 @!p0 $0x1  }
0xba: {  	s26 =	simm.s32 $execute0_lowered;
	[smem:$0x3FD2] =	sst s25  }
0xbb: {  	s6 =	sshll.u32 s26, $0x1;
	_ =	strace $0x80000049;
	[dreg:$0x1] =	wrdreg $0xFFFFFFFF  }
0xbc: {  	s28 =	simm.s32 $_size_execute0_lowered;
	s4 =	sadd.s32 s4, s6;
	[dreg:$0x0] =	wrdreg $0x0  }
0xbd: {  	s6 =	sshll.u32 s28, $0x1;
	[dreg:$0x2] =	wrdreg s4  }
0xbe: {  	[dreg:$0x3] =	wrdreg s6  }
0xbf: {  	[dreg:$0x4] =	wrdreg $0xC0  }
0xc0: {  	_ =	task [dreg:s22], $0x5FFFF  }
0xc1: {  	[dreg:$0x1] =	wrdreg $0xFFFFFFFF  }
0xc2: {  	[dreg:$0x0] =	wrdreg $0x60  }
0xc3: {  	[dreg:$0x2] =	wrdreg s17  }
0xc4: {  	[dreg:$0x3] =	wrdreg s24  }
0xc5: {  	[dreg:$0x4] =	wrdreg $0x9  }
0xc6: {  	_ =	task.clear_ibuf [dreg:s22], $0x5FFFF;
	_ =	strace $0x90000049  }
0xc7: {  	s29 =	simm.s32 $0x9;
	_ =	strace $0x8000004B  }
0xc8: {  	_ =	swait.ge [sflag:s29], $0x1  }
0xc9: {  	[sflag:s29] =	ssyncadd.s32 $0xFFFFFFFF  }
0xca: {  	_ =	strace $0x9000004B  }
0xcb: {  	_ =	sfence  }
0xcc: {  	s30 =	sld [smem:$0x0];
	_ =	sdelay $0x2  }
0xcd: {  	s31 =	sshll.u32 s1, $0xD;
	s1 =	sshrl.u32 s1, $0x2  }
0xce: {  	s4 =	sand.u32 $0x4000, s31;
	s1 =	sadd.s32 s1, s30  }
0xcf: {  	s0 =	sor.u32 s4, s0;
	s1 =	sshll.u32 s1, $0x11  }
0xd0: {  	s0 =	sor.u32 s1, s0  }
0xd1: {  	s0 =	sadd.s32 $0x8F2B, s0  }
0xd2: {  	[sflag:s0] =	ssyncadd.remote.s32 $0x1  }
0xd3: {  	_ =	sfence.sel $0xFFFF  }
0xd4: {  	[dreg:$0x0] =	wrdreg $0xFFFFFFFF;
	(pc) =	sbr.abs _section_cstart, $3  }
0xd5: {  	[dreg:$0x1] =	wrdreg $0xFFFFFFFF  }
0xd6: {  	_ =	task.clear_ibuf [dreg:s22], $0x2FFFF;
	_ =	strace $0x9FFFFFFF  }
0xd7: {  	(tm) =	ssettm $0x7FFFFFFF  }
tec
execute0_lowered:
.L_overlay_start_1:
0x0: {  	(tag) =	ssettag $0x1  }
0x1: {  	s25 =	rddreg [dreg:$0x0]  }
0x2: {  	s4 =	rddreg [dreg:$0x1];
	s3 =	simm.s32 $0x0  }
0x3: {  	s26 =	simm.s32 $0xCD80;
	[smem:$0x7FF] =	sst s3  }
0x4: {  	s12 =	sadd.s32 $0x100, s25;
	_ =	strace $0x8000004A;
	[dreg:$0x4] =	wrdreg s26  }
0x5: {  	s11 =	simm.s32 $0xED80;
	[smem:$0x7E4] =	sst s12  }
0x6: {  	s13 =	simm.s32 $0xF580;
	[dreg:$0x8] =	wrdreg s11  }
0x7: {  	s14 =	simm.s32 $0xFD80;
	[dreg:$0x9] =	wrdreg s13  }
0x8: {  	s15 =	simm.s32 $0x10580;
	[dreg:$0xa] =	wrdreg s14  }
0x9: {  	s16 =	simm.s32 $0x10D80;
	[dreg:$0xb] =	wrdreg s15  }
0xa: {  	s17 =	simm.s32 $0x11580;
	[dreg:$0xc] =	wrdreg s16  }
0xb: {  	s18 =	simm.s32 $0x11D80;
	[dreg:$0xd] =	wrdreg s17  }
0xc: {  	s19 =	simm.s32 $0x12580;
	[dreg:$0xe] =	wrdreg s18  }
0xd: {  	s23 =	sadd.s32 $0x8FD600, s4;
	[dreg:$0xf] =	wrdreg s19  }
0xe: {  	s28 =	sadd.s32 $0x1400, s25;
	[dreg:$0x1c] =	wrdreg s23  }
0xf: {  	s0 =	srdreg.scid;
	s29 =	sadd.s32 $0x1300, s25;
	[smem:$0x7EA] =	sst s28  }
0x10: {  	s21 =	stileid.u32;
	s30 =	sadd.s32 $0x1500, s25;
	[smem:$0x7ED] =	sst s29  }
0x11: {  	s0 =	sand.u32 $0x1, s0;
	s31 =	sadd.s32 $0x800, s25;
	[smem:$0x7EE] =	sst s30  }
0x12: {  	s5 =	sshll.u32 s21, $0x1;
	s26 =	simm.s32 $0x14580;
	[smem:$0x7F0] =	sst s31  }
0x13: {  	s20 =	sor.u32 s0, s5;
	s5 =	simm.s32 $0x14D80;
	[dreg:$0x13] =	wrdreg s26  }
0x14: {  	s14 =	simm.s32 $0x15D80;
	[dreg:$0x14] =	wrdreg s5  }
0x15: {  	s15 =	simm.s32 $0x16580;
	[dreg:$0x16] =	wrdreg s14  }
0x16: {  	s12 =	sadd.s32 $0x700, s25;
	[dreg:$0x17] =	wrdreg s15  }
0x17: {  	s16 =	sadd.s32 $0xC00, s25;
	[smem:$0x7EB] =	sst s12  }
0x18: {  	s19 =	sadd.s32 $0xA00, s25;
	[smem:$0x7F1] =	sst s16  }
0x19: {  	s13 =	sadd.s32 $0xD00, s25;
	[smem:$0x7F2] =	sst s19  }
0x1a: {  	s17 =	sadd.s32 $0x900, s25;
	[smem:$0x7F3] =	sst s13  }
0x1b: {  	s18 =	sadd.s32 $0xB00, s25;
	[smem:$0x7F4] =	sst s17  }
0x1c: {  	s2 =	smul.u32 $0xFFFFFD10, s21;
	s11 =	sadd.s32 $0x600, s25;
	[smem:$0x7F5] =	sst s18  }
0x1d: {  	s1 =	smul.u32 $0xFFFFFE88, s0;
	s26 =	simm.s32 $0x16D80;
	[smem:$0x7FB] =	sst s11  }
0x1e: {  	s14 =	simm.s32 $0x17D80;
	[dreg:$0x18] =	wrdreg s26  }
0x1f: {  	s15 =	simm.s32 $0x18580;
	s1 =	sadd.s32 s2, s1;
	[dreg:$0x1a] =	wrdreg s14  }
0x20: {  	s2 =	smul.u32 $0x178, s20;
	s20 =	simm.s32 $0x12D80;
	[dreg:$0x1b] =	wrdreg s15  }
0x21: {  	s26 =	simm.s32 $0x0;
	[dreg:$0x10] =	wrdreg s20  }
0x22: {  	s6 =	ssub.s32 $0x2, s0;
	s14 =	sadd.s32 $0x1000, s25;
	[smem:$0x7E6] =	sst s26  }
0x23: {  	s8 =	sshrl.u32 s6, $0x1;
	s15 =	sadd.s32 $0x1600, s25;
	[smem:$0x7E7] =	sst s14  }
0x24: {  	s1 =	sadd.s32 $0x2EE0, s1;
	s20 =	sadd.s32 $0xE00, s25;
	[smem:$0x7FD] =	sst s15  }
0x25: {  	s1 =	smin.u32 s1, $0x178;
	s22 =	sshrl.u32 s2, $0x3;
	s2 =	ssub.s32 $0x2EE0, s2  }
0x26: {  	[smem:$0x7F8] =	sst s20;
	s1 =	sshrl.u32 s1, $0x3;
	s7 =	sadd.s32 s22, s4  }
0x27: {  	s2 =	smin.u32 s2, $0x178;
	s1 =	sadd.s32 $0xFFFFFFFF, s1;
	s10 =	sadd.s32 $0x4200, s7  }
0x28: {  	s7 =	sadd.s32 $0x200, s25;
	s9 =	sshrl.u32 s1, $0x1;
	[dreg:$0x1d] =	wrdreg s10  }
0x29: {  	s1 =	ssub.s32 s6, s8;
	s6 =	simm.s32 $0xD580;
	[smem:$0x7FC] =	sst s7  }
0x2a: {  	s2 =	sshrl.u32 s2, $0x3;
	s8 =	simm.s32 $0xDD80;
	[dreg:$0x5] =	wrdreg s6  }
0x2b: {  	s2 =	sadd.s32 s22, s2;
	s22 =	simm.s32 $0x13580;
	[dreg:$0x6] =	wrdreg s8  }
0x2c: {  	s10 =	sadd.s32 $0x500, s25;
	[dreg:$0x11] =	wrdreg s22  }
0x2d: {  	s24 =	ssub.s32 $0x0, s9;
	[smem:$0x7FA] =	sst s10  }
0x2e: {  	s9 =	simm.s32 $0xE580;
	[dreg:$0x3] =	wrdreg s24  }
0x2f: {  	s6 =	simm.s32 $0x15580;
	[dreg:$0x7] =	wrdreg s9  }
0x30: {  	s8 =	sadd.s32 $0x300, s25;
	[dreg:$0x15] =	wrdreg s6  }
0x31: {  	s22 =	sadd.s32 $0xF00, s25;
	[smem:$0x7EF] =	sst s8  }
0x32: {  	s24 =	simm.s32 $0x13D80;
	[smem:$0x7F9] =	sst s22  }
0x33: {  	s2 =	smul.u32 $0x1880, s2;
	s6 =	simm.s32 $0x17580;
	[dreg:$0x12] =	wrdreg s24  }
0x34: {  	s9 =	sadd.s32 $0x400, s25;
	[dreg:$0x19] =	wrdreg s6  }
0x35: {  	s2 =	sadd.s32 s23, s2;
	s23 =	smax.u32 s1, $0x1;
	[smem:$0x7F7] =	sst s9  }
0x36: {  	s0 =	smul.u32 $0x178, s0;
	s6 =	sadd.s32 $0x1800, s25;
	[smem:$0x7E5] =	sst s23  }
0x37: {  	s24 =	smul.u32 $0x2F0, s21;
	s21 =	sadd.s32 $0xFFFFE780, s2;
	[smem:$0x7E8] =	sst s6  }
0x38: {  	s23 =	sadd.s32 $0x1200, s25;
	[dreg:$0x1f] =	wrdreg s21  }
0x39: {  	s0 =	sadd.s32 s0, s24;
	[smem:$0x7E9] =	sst s23  }
0x3a: {  	v0 =	vlaneseq.u32;
	s24 =	sadd.s32 $0x1100, s25;
	[dreg:$0x1e] =	wrdreg s0  }
0x3b: {  	vm0 =	vmmov $0xff;
	v1 =	vshrl.u32 v0, $0x3;
	s5 =	simm.s32 $0x180;
	s0 =	sadd.s32 $0x1700, s25;
	[smem:$0x7F6] =	sst s24  }
0x3c: {  	vm1 =	vmmov $0xffff;
	v0 =	vand.u32 $0x7, v0;
	v1 =	vmul.u32 $0x8, v1;
	s1 =	simm.s32 $0x980;
	s21 =	simm.s32 $0x1180;
	[smem:$0x7EC] =	sst s0  }
.LBB2_1:
0x3d: {  	s4 =	rddreg [dreg:$0x1d];
	s2 =	simm.s32 $0x5  }
0x3e: {  	[tilespmem:s3], [sflag:$0x5] =	stream.linear.gather [hbm4b:s4+s3], $0x178, $0x38;
	[tilespmem:$0x18980] =	vst v63  }
0x3f: {  	_ =	swait.ge [sflag:s2], $0x178  }
0x40: {  	[sflag:s2] =	ssyncset.done $0x0  }
0x41: {  	[sflag:s2] =	ssyncadd.s32 $0xFFFFFE88  }
0x42: {  	v2 =	vld.msk [tilespmem:$0x0], $0xff;
	_ =	sdelay $0x4  }
0x43: {  	v3 =	vshrl.u32 v2, $0x3  }
0x44: {  	v3 =	vmul.u32 $0x188, v3  }
0x45: {  	v2 =	vand.u32 $0x7, v2  }
0x46: {  	v2 =	vor.u32 v2, v3  }
0x47: {  	v2 =	vperm.xlane v2, v0;
	_ =	sdelay $0x1  }
0x48: {  	v2 =	vadd.s32 v1, v2;
	_ =	sdelay $0x3  }
0x49: {  	s26 =	sld [smem:$0x7E4]  }
0x4a: {  	[tilespmem:s5], [sflag:$0x1] =	stream.indirect_vreg.gather [hbm4b:s25+s3], $0x80, v2, vm1, $0xb8;
	[tilespmem:$0x18980] =	vst v63  }
0x4b: {  	_ = 	snop  }
0x4c: {  	[tilespmem:s1], [sflag:$0x1] =	stream.indirect_vreg.gather [hbm4b:s26+s3], $0x80, v2, vm1, $0xb8;
	[tilespmem:$0x18980] =	vst v63  }
0x4d: {  	_ = 	snop  }
0x4e: {  	[tilespmem:s21], [sflag:$0x1] =	stream.indirect_vreg.gather [hbm4b:s7+s3], $0x80, v2, vm1, $0xb8;
	[tilespmem:$0x18980] =	vst v63  }
0x4f: {  	s2 =	simm.s32 $0x1980  }
0x50: {  	[tilespmem:s2], [sflag:$0x1] =	stream.indirect_vreg.gather [hbm4b:s8+s3], $0x80, v2, vm1, $0xb8;
	[tilespmem:$0x18980] =	vst v63  }
0x51: {  	s4 =	simm.s32 $0x2180  }
0x52: {  	[tilespmem:s4], [sflag:$0x1] =	stream.indirect_vreg.gather [hbm4b:s9+s3], $0x80, v2, vm1, $0xb8;
	[tilespmem:$0x18980] =	vst v63  }
0x53: {  	s5 =	simm.s32 $0x2980  }
0x54: {  	[tilespmem:s5], [sflag:$0x1] =	stream.indirect_vreg.gather [hbm4b:s10+s3], $0x80, v2, vm1, $0xb8;
	[tilespmem:$0x18980] =	vst v63  }
0x55: {  	s7 =	simm.s32 $0x3180  }
0x56: {  	[tilespmem:s7], [sflag:$0x1] =	stream.indirect_vreg.gather [hbm4b:s11+s3], $0x80, v2, vm1, $0xb8;
	[tilespmem:$0x18980] =	vst v63  }
0x57: {  	s8 =	simm.s32 $0x3980  }
0x58: {  	[tilespmem:s8], [sflag:$0x1] =	stream.indirect_vreg.gather [hbm4b:s12+s3], $0x80, v2, vm1, $0xb8;
	[tilespmem:$0x18980] =	vst v63  }
0x59: {  	s9 =	simm.s32 $0x4180  }
0x5a: {  	[tilespmem:s9], [sflag:$0x1] =	stream.indirect_vreg.gather [hbm4b:s31+s3], $0x80, v2, vm1, $0xb8;
	[tilespmem:$0x18980] =	vst v63  }
0x5b: {  	s10 =	simm.s32 $0x4980  }
0x5c: {  	[tilespmem:s10], [sflag:$0x1] =	stream.indirect_vreg.gather [hbm4b:s17+s3], $0x80, v2, vm1, $0xb8;
	[tilespmem:$0x18980] =	vst v63  }
0x5d: {  	s11 =	simm.s32 $0x5180  }
0x5e: {  	[tilespmem:s11], [sflag:$0x1] =	stream.indirect_vreg.gather [hbm4b:s19+s3], $0x80, v2, vm1, $0xb8;
	[tilespmem:$0x18980] =	vst v63  }
0x5f: {  	s12 =	simm.s32 $0x5980  }
0x60: {  	[tilespmem:s12], [sflag:$0x1] =	stream.indirect_vreg.gather [hbm4b:s18+s3], $0x80, v2, vm1, $0xb8;
	[tilespmem:$0x18980] =	vst v63  }
0x61: {  	s17 =	simm.s32 $0x6180  }
0x62: {  	[tilespmem:s17], [sflag:$0x1] =	stream.indirect_vreg.gather [hbm4b:s16+s3], $0x80, v2, vm1, $0xb8;
	[tilespmem:$0x18980] =	vst v63  }
0x63: {  	s18 =	simm.s32 $0x6980  }
0x64: {  	[tilespmem:s18], [sflag:$0x1] =	stream.indirect_vreg.gather [hbm4b:s13+s3], $0x80, v2, vm1, $0xb8;
	[tilespmem:$0x18980] =	vst v63  }
0x65: {  	s19 =	simm.s32 $0x7180  }
0x66: {  	[tilespmem:s19], [sflag:$0x1] =	stream.indirect_vreg.gather [hbm4b:s20+s3], $0x80, v2, vm1, $0xb8;
	[tilespmem:$0x18980] =	vst v63  }
0x67: {  	s20 =	simm.s32 $0x7980  }
0x68: {  	[tilespmem:s20], [sflag:$0x1] =	stream.indirect_vreg.gather [hbm4b:s22+s3], $0x80, v2, vm1, $0xb8;
	[tilespmem:$0x18980] =	vst v63  }
0x69: {  	s21 =	simm.s32 $0x8180  }
0x6a: {  	[tilespmem:s21], [sflag:$0x1] =	stream.indirect_vreg.gather [hbm4b:s14+s3], $0x80, v2, vm1, $0xb8;
	[tilespmem:$0x18980] =	vst v63  }
0x6b: {  	s22 =	simm.s32 $0x8980  }
0x6c: {  	[tilespmem:s22], [sflag:$0x1] =	stream.indirect_vreg.gather [hbm4b:s24+s3], $0x80, v2, vm1, $0xb8;
	[tilespmem:$0x18980] =	vst v63  }
0x6d: {  	s24 =	simm.s32 $0x9180  }
0x6e: {  	[tilespmem:s24], [sflag:$0x1] =	stream.indirect_vreg.gather [hbm4b:s23+s3], $0x80, v2, vm1, $0xb8;
	[tilespmem:$0x18980] =	vst v63  }
0x6f: {  	s25 =	simm.s32 $0x9980  }
0x70: {  	[tilespmem:s25], [sflag:$0x1] =	stream.indirect_vreg.gather [hbm4b:s29+s3], $0x80, v2, vm1, $0xb8;
	[tilespmem:$0x18980] =	vst v63  }
0x71: {  	s26 =	simm.s32 $0xA180  }
0x72: {  	[tilespmem:s26], [sflag:$0x1] =	stream.indirect_vreg.gather [hbm4b:s28+s3], $0x80, v2, vm1, $0xb8;
	[tilespmem:$0x18980] =	vst v63  }
0x73: {  	s28 =	simm.s32 $0xA980  }
0x74: {  	[tilespmem:s28], [sflag:$0x1] =	stream.indirect_vreg.gather [hbm4b:s30+s3], $0x80, v2, vm1, $0xb8;
	[tilespmem:$0x18980] =	vst v63  }
0x75: {  	s29 =	simm.s32 $0xB180  }
0x76: {  	[tilespmem:s29], [sflag:$0x1] =	stream.indirect_vreg.gather [hbm4b:s15+s3], $0x80, v2, vm1, $0xb8;
	[tilespmem:$0x18980] =	vst v63  }
0x77: {  	s4 =	simm.s32 $0x0;
	s30 =	simm.s32 $0xB980  }
0x78: {  	[tilespmem:s30], [sflag:$0x1] =	stream.indirect_vreg.gather [hbm4b:s0+s3], $0x80, v2, vm1, $0xb8;
	[tilespmem:$0x18980] =	vst v63  }
0x79: {  	s31 =	simm.s32 $0xC180;
	s21 =	simm.s32 $0x10;
	s25 =	rddreg [dreg:$0x1e]  }
0x7a: {  	[tilespmem:s31], [sflag:$0x1] =	stream.indirect_vreg.gather [hbm4b:s6+s3], $0x80, v2, vm0, $0xb8;
	[tilespmem:$0x18980] =	vst v63  }
.LBB2_2:
0x7b: {  	s0 =	simm.s32 $0x1  }
0x7c: {  	_ =	swait.ge [sflag:s0], $0xC400  }
0x7d: {  	p0 =	seq.s32 s4, $0x0;
	[sflag:s0] =	ssyncset.done $0x0  }
0x7e: {  	s6 =	simm.s32 @!p0 $0x4;
	[sflag:s0] =	ssyncadd.s32 $0xFFFF3C00  }
0x7f: {  	_ =	swait.ge @!p0 [sflag:s6], $0xC400  }
0x80: {  	[sflag:s6] =	ssyncset.done @!p0 $0x0  }
0x81: {  	[sflag:s6] =	ssyncadd.s32 @!p0 $0xFFFF3C00  }
0x82: {  	v2 =	vld.msk [tilespmem:s21+$0xFFFFFFF8], $0xff  }
0x83: {  	s11 =	rddreg [dreg:$0x4]  }
0x84: {  	s7 =	rddreg [dreg:$0x5]  }
0x85: {  	s14 =	rddreg [dreg:$0x6]  }
0x86: {  	s15 =	rddreg [dreg:$0x7]  }
0x87: {  	s2 =	sld [smem:$0x7EF];
	v3 =	vshrl.u32 v2, $0x3  }
0x88: {  	s16 =	rddreg [dreg:$0x8];
	v3 =	vmul.u32 $0x188, v3  }
0x89: {  	s17 =	rddreg [dreg:$0x9];
	v2 =	vand.u32 $0x7, v2  }
0x8a: {  	s18 =	rddreg [dreg:$0xa];
	v2 =	vor.u32 v2, v3  }
0x8b: {  	s19 =	rddreg [dreg:$0xb];
	v2 =	vperm.xlane v2, v0  }
0x8c: {  	s20 =	rddreg [dreg:$0xc]  }
0x8d: {  	s22 =	rddreg [dreg:$0xd];
	v2 =	vadd.s32 v1, v2  }
0x8e: {  	s23 =	rddreg [dreg:$0xe]  }
0x8f: {  	s24 =	sld [smem:$0x7F2]  }
0x90: {  	s26 =	rddreg [dreg:$0xf]  }
0x91: {  	s12 =	simm.s32 $0xC580;
	s13 =	rddreg [dreg:$0x0]  }
0x92: {  	[tilespmem:s12], [sflag:$0x2] =	stream.indirect_vreg.gather [hbm4b:s13+s3], $0x80, v2, vm1, $0xb8;
	[tilespmem:$0x18980] =	vst v63  }
0x93: {  	s13 =	sld [smem:$0x7E4]  }
0x94: {  	s28 =	rddreg [dreg:$0x10]  }
0x95: {  	s29 =	rddreg [dreg:$0x11]  }
0x96: {  	[tilespmem:s11], [sflag:$0x2] =	stream.indirect_vreg.gather [hbm4b:s13+s3], $0x80, v2, vm1, $0xb8;
	[tilespmem:$0x18980] =	vst v63  }
0x97: {  	s11 =	sld [smem:$0x7FC]  }
0x98: {  	s10 =	sld [smem:$0x7F3]  }
0x99: {  	s30 =	rddreg [dreg:$0x12]  }
0x9a: {  	[tilespmem:s7], [sflag:$0x2] =	stream.indirect_vreg.gather [hbm4b:s11+s3], $0x80, v2, vm1, $0xb8;
	[tilespmem:$0x18980] =	vst v63  }
0x9b: {  	s31 =	rddreg [dreg:$0x13]  }
0x9c: {  	[tilespmem:s14], [sflag:$0x2] =	stream.indirect_vreg.gather [hbm4b:s2+s3], $0x80, v2, vm1, $0xb8;
	[tilespmem:$0x18980] =	vst v63  }
0x9d: {  	s14 =	sld [smem:$0x7F7]  }
0x9e: {  	s0 =	rddreg [dreg:$0x14]  }
0x9f: {  	s1 =	sld [smem:$0x7E7]  }
0xa0: {  	[tilespmem:s15], [sflag:$0x2] =	stream.indirect_vreg.gather [hbm4b:s14+s3], $0x80, v2, vm1, $0xb8;
	[tilespmem:$0x18980] =	vst v63  }
0xa1: {  	s15 =	sld [smem:$0x7FA]  }
0xa2: {  	s5 =	rddreg [dreg:$0x15]  }
0xa3: {  	s13 =	sld [smem:$0x7FB]  }
0xa4: {  	[tilespmem:s16], [sflag:$0x2] =	stream.indirect_vreg.gather [hbm4b:s15+s3], $0x80, v2, vm1, $0xb8;
	[tilespmem:$0x18980] =	vst v63  }
0xa5: {  	s12 =	sld [smem:$0x7EB]  }
0xa6: {  	[tilespmem:s17], [sflag:$0x2] =	stream.indirect_vreg.gather [hbm4b:s13+s3], $0x80, v2, vm1, $0xb8;
	[tilespmem:$0x18980] =	vst v63  }
0xa7: {  	s16 =	sld [smem:$0x7F0]  }
0xa8: {  	[tilespmem:s18], [sflag:$0x2] =	stream.indirect_vreg.gather [hbm4b:s12+s3], $0x80, v2, vm1, $0xb8;
	[tilespmem:$0x18980] =	vst v63  }
0xa9: {  	s17 =	sld [smem:$0x7F4]  }
0xaa: {  	[tilespmem:s19], [sflag:$0x2] =	stream.indirect_vreg.gather [hbm4b:s16+s3], $0x80, v2, vm1, $0xb8;
	[tilespmem:$0x18980] =	vst v63  }
0xab: {  	s8 =	rddreg [dreg:$0x16]  }
0xac: {  	[tilespmem:s20], [sflag:$0x2] =	stream.indirect_vreg.gather [hbm4b:s17+s3], $0x80, v2, vm1, $0xb8;
	[tilespmem:$0x18980] =	vst v63  }
0xad: {  	s18 =	sld [smem:$0x7F5]  }
0xae: {  	[tilespmem:s22], [sflag:$0x2] =	stream.indirect_vreg.gather [hbm4b:s24+s3], $0x80, v2, vm1, $0xb8;
	[tilespmem:$0x18980] =	vst v63  }
0xaf: {  	s19 =	sld [smem:$0x7F1]  }
0xb0: {  	[tilespmem:s23], [sflag:$0x2] =	stream.indirect_vreg.gather [hbm4b:s18+s3], $0x80, v2, vm1, $0xb8;
	[tilespmem:$0x18980] =	vst v63  }
0xb1: {  	s9 =	rddreg [dreg:$0x17]  }
0xb2: {  	[tilespmem:s26], [sflag:$0x2] =	stream.indirect_vreg.gather [hbm4b:s19+s3], $0x80, v2, vm1, $0xb8;
	[tilespmem:$0x18980] =	vst v63  }
0xb3: {  	s20 =	sld [smem:$0x7F8]  }
0xb4: {  	[tilespmem:s28], [sflag:$0x2] =	stream.indirect_vreg.gather [hbm4b:s10+s3], $0x80, v2, vm1, $0xb8;
	[tilespmem:$0x18980] =	vst v63  }
0xb5: {  	s22 =	sld [smem:$0x7F9]  }
0xb6: {  	[tilespmem:s29], [sflag:$0x2] =	stream.indirect_vreg.gather [hbm4b:s20+s3], $0x80, v2, vm1, $0xb8;
	[tilespmem:$0x18980] =	vst v63  }
0xb7: {  	s23 =	rddreg [dreg:$0x18]  }
0xb8: {  	[tilespmem:s30], [sflag:$0x2] =	stream.indirect_vreg.gather [hbm4b:s22+s3], $0x80, v2, vm1, $0xb8;
	[tilespmem:$0x18980] =	vst v63  }
0xb9: {  	s26 =	sld [smem:$0x7F6]  }
0xba: {  	[tilespmem:s31], [sflag:$0x2] =	stream.indirect_vreg.gather [hbm4b:s1+s3], $0x80, v2, vm1, $0xb8;
	[tilespmem:$0x18980] =	vst v63  }
0xbb: {  	s28 =	sld [smem:$0x7E9]  }
0xbc: {  	[tilespmem:s0], [sflag:$0x2] =	stream.indirect_vreg.gather [hbm4b:s26+s3], $0x80, v2, vm1, $0xb8;
	[tilespmem:$0x18980] =	vst v63  }
0xbd: {  	s29 =	sld [smem:$0x7ED]  }
0xbe: {  	[tilespmem:s5], [sflag:$0x2] =	stream.indirect_vreg.gather [hbm4b:s28+s3], $0x80, v2, vm1, $0xb8;
	[tilespmem:$0x18980] =	vst v63  }
0xbf: {  	s30 =	sld [smem:$0x7EA]  }
0xc0: {  	[tilespmem:s8], [sflag:$0x2] =	stream.indirect_vreg.gather [hbm4b:s29+s3], $0x80, v2, vm1, $0xb8;
	[tilespmem:$0x18980] =	vst v63  }
0xc1: {  	s31 =	sld [smem:$0x7EE]  }
0xc2: {  	[tilespmem:s9], [sflag:$0x2] =	stream.indirect_vreg.gather [hbm4b:s30+s3], $0x80, v2, vm1, $0xb8;
	[tilespmem:$0x18980] =	vst v63  }
0xc3: {  	s9 =	sld [smem:$0x7FD]  }
0xc4: {  	[tilespmem:s23], [sflag:$0x2] =	stream.indirect_vreg.gather [hbm4b:s31+s3], $0x80, v2, vm1, $0xb8;
	[tilespmem:$0x18980] =	vst v63  }
0xc5: {  	s0 =	rddreg [dreg:$0x19]  }
0xc6: {  	[tilespmem:s0], [sflag:$0x2] =	stream.indirect_vreg.gather [hbm4b:s9+s3], $0x80, v2, vm1, $0xb8;
	[tilespmem:$0x18980] =	vst v63  }
0xc7: {  	s0 =	sld [smem:$0x7EC]  }
0xc8: {  	s5 =	rddreg [dreg:$0x1a];
	s23 =	sshrl.u32 s25, $0x3  }
0xc9: {  	s7 =	smul.u32 $0x1880, s23;
	s23 =	sld [smem:$0x7E8]  }
0xca: {  	[tilespmem:s5], [sflag:$0x2] =	stream.indirect_vreg.gather [hbm4b:s0+s3], $0x80, v2, vm1, $0xb8;
	[tilespmem:$0x18980] =	vst v63  }
0xcb: {  	s8 =	rddreg [dreg:$0x1b]  }
0xcc: {  	[tilespmem:s8], [sflag:$0x2] =	stream.indirect_vreg.gather [hbm4b:s23+s3], $0x80, v2, vm0, $0xb8;
	[tilespmem:$0x18980] =	vst v63  }
0xcd: {  	s8 =	rddreg [dreg:$0x1c]  }
0xce: {  	s5 =	sadd.s32 s8, s7;
	s7 =	simm.s32 $0x180  }
0xcf: {  	[hbm4b:s5+s3] =	stream.linear.scatter [tilespmem:s7], [sflag:$0x3], $0xC400, $0x38;
	[tilespmem:$0x18980] =	vst v63  }
0xd0: {  	s5 =	simm.s32 $0x2  }
0xd1: {  	_ =	swait.ge [sflag:s5], $0xC400  }
0xd2: {  	[sflag:s5] =	ssyncset.done $0x0  }
0xd3: {  	s6 =	simm.s32 $0x3;
	[sflag:s5] =	ssyncadd.s32 $0xFFFF3C00  }
0xd4: {  	_ =	swait.ge [sflag:s6], $0xC400  }
0xd5: {  	[sflag:s6] =	ssyncset.done $0x0  }
0xd6: {  	[sflag:s6] =	ssyncadd.s32 $0xFFFF3C00  }
0xd7: {  	v2 =	vld.msk [tilespmem:s21+$0x0], $0xff;
	_ =	sdelay $0x4  }
0xd8: {  	v3 =	vshrl.u32 v2, $0x3  }
0xd9: {  	v3 =	vmul.u32 $0x188, v3  }
0xda: {  	v2 =	vand.u32 $0x7, v2  }
0xdb: {  	v2 =	vor.u32 v2, v3  }
0xdc: {  	v2 =	vperm.xlane v2, v0;
	_ =	sdelay $0x1  }
0xdd: {  	v2 =	vadd.s32 v1, v2;
	_ =	sdelay $0x3  }
0xde: {  	s6 =	rddreg [dreg:$0x0]  }
0xdf: {  	[tilespmem:s7], [sflag:$0x1] =	stream.indirect_vreg.gather [hbm4b:s6+s3], $0x80, v2, vm1, $0xb8;
	[tilespmem:$0x18980] =	vst v63  }
0xe0: {  	s7 =	sld [smem:$0x7E4];
	_ =	sdelay $0x1  }
0xe1: {  	s6 =	simm.s32 $0x980  }
0xe2: {  	[tilespmem:s6], [sflag:$0x1] =	stream.indirect_vreg.gather [hbm4b:s7+s3], $0x80, v2, vm1, $0xb8;
	[tilespmem:$0x18980] =	vst v63  }
0xe3: {  	s7 =	simm.s32 $0x1180  }
0xe4: {  	[tilespmem:s7], [sflag:$0x1] =	stream.indirect_vreg.gather [hbm4b:s11+s3], $0x80, v2, vm1, $0xb8;
	[tilespmem:$0x18980] =	vst v63  }
0xe5: {  	s11 =	simm.s32 $0x1980  }
0xe6: {  	[tilespmem:s11], [sflag:$0x1] =	stream.indirect_vreg.gather [hbm4b:s2+s3], $0x80, v2, vm1, $0xb8;
	[tilespmem:$0x18980] =	vst v63  }
0xe7: {  	s2 =	simm.s32 $0x2180  }
0xe8: {  	[tilespmem:s2], [sflag:$0x1] =	stream.indirect_vreg.gather [hbm4b:s14+s3], $0x80, v2, vm1, $0xb8;
	[tilespmem:$0x18980] =	vst v63  }
0xe9: {  	s7 =	simm.s32 $0x2980  }
0xea: {  	[tilespmem:s7], [sflag:$0x1] =	stream.indirect_vreg.gather [hbm4b:s15+s3], $0x80, v2, vm1, $0xb8;
	[tilespmem:$0x18980] =	vst v63  }
0xeb: {  	s11 =	simm.s32 $0x3180  }
0xec: {  	[tilespmem:s11], [sflag:$0x1] =	stream.indirect_vreg.gather [hbm4b:s13+s3], $0x80, v2, vm1, $0xb8;
	[tilespmem:$0x18980] =	vst v63  }
0xed: {  	s14 =	simm.s32 $0x3980  }
0xee: {  	[tilespmem:s14], [sflag:$0x1] =	stream.indirect_vreg.gather [hbm4b:s12+s3], $0x80, v2, vm1, $0xb8;
	[tilespmem:$0x18980] =	vst v63  }
0xef: {  	s15 =	simm.s32 $0x4180  }
0xf0: {  	[tilespmem:s15], [sflag:$0x1] =	stream.indirect_vreg.gather [hbm4b:s16+s3], $0x80, v2, vm1, $0xb8;
	[tilespmem:$0x18980] =	vst v63  }
0xf1: {  	s6 =	simm.s32 $0x4980  }
0xf2: {  	[tilespmem:s6], [sflag:$0x1] =	stream.indirect_vreg.gather [hbm4b:s17+s3], $0x80, v2, vm1, $0xb8;
	[tilespmem:$0x18980] =	vst v63  }
0xf3: {  	s7 =	simm.s32 $0x5180  }
0xf4: {  	[tilespmem:s7], [sflag:$0x1] =	stream.indirect_vreg.gather [hbm4b:s24+s3], $0x80, v2, vm1, $0xb8;
	[tilespmem:$0x18980] =	vst v63  }
0xf5: {  	s11 =	simm.s32 $0x5980  }
0xf6: {  	[tilespmem:s11], [sflag:$0x1] =	stream.indirect_vreg.gather [hbm4b:s18+s3], $0x80, v2, vm1, $0xb8;
	[tilespmem:$0x18980] =	vst v63  }
0xf7: {  	s12 =	simm.s32 $0x6180  }
0xf8: {  	[tilespmem:s12], [sflag:$0x1] =	stream.indirect_vreg.gather [hbm4b:s19+s3], $0x80, v2, vm1, $0xb8;
	[tilespmem:$0x18980] =	vst v63  }
0xf9: {  	s13 =	simm.s32 $0x6980  }
0xfa: {  	[tilespmem:s13], [sflag:$0x1] =	stream.indirect_vreg.gather [hbm4b:s10+s3], $0x80, v2, vm1, $0xb8;
	[tilespmem:$0x18980] =	vst v63  }
0xfb: {  	s14 =	simm.s32 $0x7180  }
0xfc: {  	[tilespmem:s14], [sflag:$0x1] =	stream.indirect_vreg.gather [hbm4b:s20+s3], $0x80, v2, vm1, $0xb8;
	[tilespmem:$0x18980] =	vst v63  }
0xfd: {  	s15 =	simm.s32 $0x7980  }
0xfe: {  	[tilespmem:s15], [sflag:$0x1] =	stream.indirect_vreg.gather [hbm4b:s22+s3], $0x80, v2, vm1, $0xb8;
	[tilespmem:$0x18980] =	vst v63  }
0xff: {  	s16 =	simm.s32 $0x8180  }
0x100: {  	[tilespmem:s16], [sflag:$0x1] =	stream.indirect_vreg.gather [hbm4b:s1+s3], $0x80, v2, vm1, $0xb8;
	[tilespmem:$0x18980] =	vst v63  }
0x101: {  	s17 =	simm.s32 $0x8980  }
0x102: {  	[tilespmem:s17], [sflag:$0x1] =	stream.indirect_vreg.gather [hbm4b:s26+s3], $0x80, v2, vm1, $0xb8;
	[tilespmem:$0x18980] =	vst v63  }
0x103: {  	s18 =	simm.s32 $0x9180  }
0x104: {  	[tilespmem:s18], [sflag:$0x1] =	stream.indirect_vreg.gather [hbm4b:s28+s3], $0x80, v2, vm1, $0xb8;
	[tilespmem:$0x18980] =	vst v63  }
0x105: {  	s19 =	simm.s32 $0x9980  }
0x106: {  	[tilespmem:s19], [sflag:$0x1] =	stream.indirect_vreg.gather [hbm4b:s29+s3], $0x80, v2, vm1, $0xb8;
	[tilespmem:$0x18980] =	vst v63  }
0x107: {  	s20 =	simm.s32 $0xA180  }
0x108: {  	[tilespmem:s20], [sflag:$0x1] =	stream.indirect_vreg.gather [hbm4b:s30+s3], $0x80, v2, vm1, $0xb8;
	[tilespmem:$0x18980] =	vst v63  }
0x109: {  	s22 =	simm.s32 $0xA980  }
0x10a: {  	[tilespmem:s22], [sflag:$0x1] =	stream.indirect_vreg.gather [hbm4b:s31+s3], $0x80, v2, vm1, $0xb8;
	[tilespmem:$0x18980] =	vst v63  }
0x10b: {  	s4 =	sadd.s32 $0xFFFFFFFF, s4;
	s24 =	simm.s32 $0xB180;
	s30 =	rddreg [dreg:$0x3]  }
0x10c: {  	[tilespmem:s24], [sflag:$0x1] =	stream.indirect_vreg.gather [hbm4b:s9+s3], $0x80, v2, vm1, $0xb8;
	[tilespmem:$0x18980] =	vst v63  }
0x10d: {  	s26 =	simm.s32 $0xB980;
	s28 =	sadd.s32 $0x8, s25;
	p0 =	sne.s32 s30, s4  }
0x10e: {  	[tilespmem:s26], [sflag:$0x1] =	stream.indirect_vreg.gather [hbm4b:s0+s3], $0x80, v2, vm1, $0xb8;
	[tilespmem:$0x18980] =	vst v63  }
.Ltmp0:
0x10f: {  	s5 =	simm.s32 $0x180;
	s6 =	sshrl.u32 s28, $0x3;
	(pc) =	sbr.rel @p0 .LBB2_2-.Ltmp0, $4  }
0x110: {  	s21 =	sadd.s32 $0x10, s21;
	s6 =	smul.u32 $0x1880, s6;
	s29 =	simm.s32 $0xC180  }
0x111: {  	[tilespmem:s29], [sflag:$0x1] =	stream.indirect_vreg.gather [hbm4b:s23+s3], $0x80, v2, vm0, $0xb8;
	[tilespmem:$0x18980] =	vst v63  }
0x112: {  	s25 =	sadd.s32 $0x10, s25;
	s6 =	sadd.s32 s8, s6;
	s31 =	simm.s32 $0xC580  }
0x113: {  	[hbm4b:s6+s3] =	stream.linear.scatter [tilespmem:s31], [sflag:$0x4], $0xC400, $0x38;
	[tilespmem:$0x18980] =	vst v63  }
0x114: {  	s0 =	simm.s32 $0x1  }
0x115: {  	_ =	swait.ge [sflag:s0], $0xC400  }
0x116: {  	[sflag:s0] =	ssyncset.done $0x0  }
0x117: {  	s4 =	simm.s32 $0x4;
	[sflag:s0] =	ssyncadd.s32 $0xFFFF3C00  }
0x118: {  	_ =	swait.ge [sflag:s4], $0xC400  }
0x119: {  	[sflag:s4] =	ssyncset.done $0x0  }
0x11a: {  	s6 =	simm.s32 $0x3;
	s25 =	rddreg [dreg:$0x1f];
	[sflag:s4] =	ssyncadd.s32 $0xFFFF3C00  }
0x11b: {  	[hbm4b:s25+s3] =	stream.linear.scatter [tilespmem:s5], [sflag:$0x3], $0xC400, $0x38;
	[tilespmem:$0x18980] =	vst v63  }
0x11c: {  	_ =	swait.ge [sflag:s6], $0xC400  }
0x11d: {  	s7 =	sld [smem:$0x7E6]  }
0x11e: {  	s26 =	sld [smem:$0x7E5]  }
0x11f: {  	s8 =	sld [smem:$0x7EF]  }
0x120: {  	s9 =	sld [smem:$0x7F7]  }
0x121: {  	s10 =	sld [smem:$0x7FA]  }
0x122: {  	s11 =	sld [smem:$0x7FB]  }
0x123: {  	s12 =	sld [smem:$0x7EB]  }
0x124: {  	s31 =	sld [smem:$0x7F0]  }
0x125: {  	s17 =	sld [smem:$0x7F4]  }
0x126: {  	s19 =	sld [smem:$0x7F2]  }
0x127: {  	s18 =	sld [smem:$0x7F5]  }
0x128: {  	s16 =	sld [smem:$0x7F1]  }
0x129: {  	s13 =	sld [smem:$0x7F3]  }
0x12a: {  	s20 =	sld [smem:$0x7F8]  }
0x12b: {  	s22 =	sld [smem:$0x7F9]  }
0x12c: {  	s14 =	sld [smem:$0x7E7]  }
0x12d: {  	s24 =	sld [smem:$0x7F6]  }
0x12e: {  	s23 =	sld [smem:$0x7E9]  }
0x12f: {  	s29 =	sld [smem:$0x7ED]  }
0x130: {  	s28 =	sld [smem:$0x7EA]  }
0x131: {  	s30 =	sld [smem:$0x7EE];
	s7 =	sadd.s32 $0x1, s7  }
0x132: {  	s15 =	sld [smem:$0x7FD];
	p0 =	sne.s32 s7, s26  }
.Ltmp1:
0x133: {  	[sflag:s6] =	ssyncset.done $0x0;
	s0 =	sld [smem:$0x7EC];
	(pc) =	sbr.rel @p0 .LBB2_1-.Ltmp1, $4  }
0x134: {  	[sflag:s6] =	ssyncadd.s32 $0xFFFF3C00;
	s6 =	sld [smem:$0x7E8]  }
0x135: {  	s25 =	rddreg [dreg:$0x0]  }
0x136: {  	[smem:$0x7E6] =	sst s7  }
0x137: {  	s1 =	simm.s32 $0x980;
	s21 =	simm.s32 $0x1180;
	s7 =	sld [smem:$0x7FC]  }
0x138: {  	_ =	sfence.sel $0x180000  }
0x139: {  	[bflag:$0x0] =	sbarrier.arrive $0xFFFF  }
0x13a: {  	_ =	strace $0x9000004A  }
0x13b: {  	s0 =	stileid.u32;
	[bflag:$0x2] =	sbarrier.arrive $0xFFFF  }
0x13c: {  	p0 =	sne.s32 s0, $0x0;
	s0 =	rddreg [dreg:$0x2]  }
0x13d: {  	s0 =	sadd.s32 @!p0 $0x100000, s0  }
0x13e: {  	[sflag:s0] =	ssyncadd.tile.s32 @!p0 $0x1;
	_ =	shalt  }
.Lfunc_end2:
_tile_overlayer_lowered:
.L_overlay_start_2:
0x13f: {  	(tag) =	ssettag $0x2  }
0x140: {  	s0 =	rddreg [dreg:$0x0];
	s2 =	stileid.u32  }
0x141: {  	s1 =	rddreg [dreg:$0x1];
	p0 =	sne.s32 s2, $0x0  }
0x142: {  	s3 =	rddreg [dreg:$0x2];
	[bflag:$0x3] =	sbarrier.arrive $0xFFFF;
	s2 =	simm.s32 @!p0 $0x1C05  }
0x143: {  	[timem:s3], [sflag:s2] =	dma.local @!p0 [hbm:s0], s1  }
0x144: {  	s0 =	simm.s32 @!p0 $0x5  }
0x145: {  	_ =	swait.ge @!p0 [sflag:s0], s1  }
0x146: {  	s1 =	ssub.s32 @!p0 $0x0, s1;
	[sflag:s0] =	ssyncset.done @!p0 $0x0  }
0x147: {  	[sflag:s0] =	ssyncadd.s32 @!p0 s1  }
0x148: {  	[bflag:$0x3] =	sbarrier.arrive $0xFFFF  }
0x149: {  	_ =	shalt  }

// kernel: kernel.9.cloned.1.call-start
scs
__scs_entry_jumppad:
0x0: {  	(pc) =	sbr.rel $0x88, $3  }
0x1: {  	(tag) =	ssettag $0x0;
	lr =	simm.s32 $0x1  }
0x2: {  	[smem:$0x3F93] =	sst lr;
	_ =	strace $0xD0000000  }
0x3: {  	_ = 	snop  }
0x4: {  	_ = 	snop  }
0x5: {  	_ = 	snop  }
0x6: {  	_ = 	snop  }
0x7: {  	_ = 	snop  }
__scs_overlays_trampoline_lowered:
0x8: {  	[smem:$0x3FA2] =	sst s0  }
0x9: {  	[smem:$0x3FA3] =	sst s1  }
0xa: {  	[smem:$0x3FA4] =	sst s2  }
0xb: {  	[smem:$0x3FA5] =	sst s3  }
0xc: {  	[smem:$0x3FA6] =	sst s4  }
0xd: {  	[smem:$0x3FA7] =	sst s5  }
0xe: {  	[smem:$0x3FA8] =	sst s6  }
0xf: {  	[smem:$0x3FA9] =	sst s7  }
0x10: {  	[smem:$0x3FAA] =	sst s8  }
0x11: {  	[smem:$0x3FAB] =	sst s9;
	s0 =	simm.s32 @!p0 $0x0  }
0x12: {  	s1 =	sld [smem:$0x3F91];
	s0 =	simm.s32 @p0 $0x1  }
0x13: {  	[smem:$0x3FAC] =	sst s0;
	s0 =	simm.s32 @!p1 $0x0  }
0x14: {  	s2 =	sld [smem:$0x3F90];
	s0 =	simm.s32 @p1 $0x1  }
0x15: {  	[smem:$0x3FAD] =	sst s0;
	s0 =	simm.s32 @!p2 $0x0  }
0x16: {  	s3 =	sld [smem:$0x3FDB];
	s0 =	simm.s32 @p2 $0x1  }
0x17: {  	s4 =	simm.s32 $0x1BF5;
	[smem:$0x3FAF] =	sst s0  }
0x18: {  	s0 =	sld [smem:$0x3F92];
	_ =	swait.ge [sflag:s4], $0x0  }
0x19: {  	s7 =	sld [smem:$0x3F93]  }
0x1a: {  	s8 =	sadd.s32 $0xFFFFE003, lr  }
0x1b: {  	s9 =	sadd.s32 $0xFFFFFEF7, lr;
	s5 =	simm.s32 $0xFFFFFFFF;
	p2 =	slt.u32 s8, $0xFFFFF086  }
0x1c: {  	p1 =	slt.u32 s9, $0xF7A;
	s5 =	simm.s32 @!p2 $0x0  }
0x1d: {  	s5 =	simm.s32 @p1 $0x1;
	p0 =	seq.s32 s7, s2  }
0x1e: {  	s7 =	smul.u32 @!p0 $0xF7A, s2;
	p2 =	seq.s32 @!p0 s5, $0x0  }
0x1f: {  	s9 =	smul.u32 $0xF7A, s1;
	s8 =	simm.s32 @!p0 $0x1BF5;
	p2 =	por !p2, p0  }
0x20: {  	[sflag:s8] =	ssyncset.s32 @!p0 $0xFFFFF086;
	s6 =	sadd.s32 @!p0 s3, s7;
	s7 =	simm.s32 @!p0 $0x108  }
0x21: {  	s3 =	sadd.s32 s3, s9;
	s6 =	sadd.s32 @!p0 $0x88, s6;
	s7 =	simm.s32 @p2 $0x1082  }
0x22: {  	[simem:s7], [sflag:s8] =	dma.local @!p0 [hbm:s6], $0xF7A  }
0x23: {  	s9 =	sor.u32 $0xD0000000, s2;
	s6 =	simm.s32 $0x108;
	_ =	swait.ge @!p0 [sflag:s8], $0x0  }
0x24: {  	s3 =	sadd.s32 $0x88, s3;
	s6 =	simm.s32 @!p1 $0x1082;
	[sflag:s4] =	ssyncset.s32 $0xFFFFF086  }
0x25: {  	[simem:s6], [sflag:s4] =	dma.local [hbm:s3], $0xF7A  }
0x26: {  	[smem:$0x3F93] =	sst s1;
	(tag) =	ssettag s2;
	_ =	strace s9  }
0x27: {  	s1 =	sld [smem:$0x3FA3]  }
0x28: {  	s2 =	sld [smem:$0x3FA4]  }
0x29: {  	s4 =	sld [smem:$0x3FA6]  }
0x2a: {  	p0 =	seq.s32 s5, $0x0;
	s5 =	sld [smem:$0x3FA7]  }
0x2b: {  	s6 =	sld [smem:$0x3FA8]  }
0x2c: {  	s7 =	sld [smem:$0x3FA9]  }
0x2d: {  	s3 =	simm.s32 $0x108;
	s8 =	sld [smem:$0x3FAA]  }
0x2e: {  	s3 =	simm.s32 @!p0 $0x1082;
	s9 =	sld [smem:$0x3FAB]  }
0x2f: {  	lr =	sadd.s32 s0, s3;
	s0 =	sld [smem:$0x3FA2]  }
0x30: {  	s3 =	sld [smem:$0x3FA5]  }
0x31: {  	[smem:$0x3FAE] =	sst s10  }
0x32: {  	s10 =	sld [smem:$0x3FAC];
	_ =	sdelay $0x3  }
0x33: {  	p0 =	seq.s32 s10, $0x1;
	s10 =	sld [smem:$0x3FAE];
	_ =	sdelay $0x3  }
0x34: {  	[smem:$0x3FAE] =	sst s10  }
0x35: {  	s10 =	sld [smem:$0x3FAD];
	_ =	sdelay $0x3  }
0x36: {  	p1 =	seq.s32 s10, $0x1;
	s10 =	sld [smem:$0x3FAE];
	_ =	sdelay $0x3  }
0x37: {  	[smem:$0x3FAE] =	sst s10  }
0x38: {  	s10 =	sld [smem:$0x3FAF]  }
0x39: {  	_ = 	snop;
	(pc) =	sbr.ind lr, $3  }
0x3a: {  	_ = 	snop  }
0x3b: {  	_ = 	snop  }
0x3c: {  	p2 =	seq.s32 s10, $0x1;
	s10 =	sld [smem:$0x3FAE]  }
0x3d: {  	_ =	shalt  }
0x3e: {  	_ =	shalt  }
0x3f: {  	_ =	shalt  }
0x40: {  	_ =	shalt  }
0x41: {  	_ =	shalt  }
0x42: {  	_ =	shalt  }
0x43: {  	_ =	shalt  }
0x44: {  	_ =	shalt  }
0x45: {  	_ =	shalt  }
0x46: {  	_ =	shalt  }
0x47: {  	_ =	shalt  }
0x48: {  	_ =	shalt  }
0x49: {  	_ =	shalt  }
0x4a: {  	_ =	shalt  }
0x4b: {  	_ =	shalt  }
0x4c: {  	_ =	shalt  }
0x4d: {  	_ =	shalt  }
0x4e: {  	_ =	shalt  }
0x4f: {  	_ =	shalt  }
0x50: {  	_ =	shalt  }
0x51: {  	_ =	shalt  }
0x52: {  	_ =	shalt  }
0x53: {  	_ =	shalt  }
0x54: {  	_ =	shalt  }
0x55: {  	_ =	shalt  }
0x56: {  	_ =	shalt  }
0x57: {  	_ =	shalt  }
0x58: {  	_ =	shalt  }
0x59: {  	_ =	shalt  }
0x5a: {  	_ =	shalt  }
0x5b: {  	_ =	shalt  }
0x5c: {  	_ =	shalt  }
0x5d: {  	_ =	shalt  }
0x5e: {  	_ =	shalt  }
0x5f: {  	_ =	shalt  }
0x60: {  	_ =	shalt  }
0x61: {  	_ =	shalt  }
0x62: {  	_ =	shalt  }
0x63: {  	_ =	shalt  }
0x64: {  	_ =	shalt  }
0x65: {  	_ =	shalt  }
0x66: {  	_ =	shalt  }
0x67: {  	_ =	shalt  }
0x68: {  	_ =	shalt  }
0x69: {  	_ =	shalt  }
0x6a: {  	_ =	shalt  }
0x6b: {  	_ =	shalt  }
0x6c: {  	_ =	shalt  }
0x6d: {  	_ =	shalt  }
0x6e: {  	_ =	shalt  }
0x6f: {  	_ =	shalt  }
0x70: {  	_ =	shalt  }
0x71: {  	_ =	shalt  }
0x72: {  	_ =	shalt  }
0x73: {  	_ =	shalt  }
0x74: {  	_ =	shalt  }
0x75: {  	_ =	shalt  }
0x76: {  	_ =	shalt  }
0x77: {  	_ =	shalt  }
0x78: {  	_ =	shalt  }
0x79: {  	_ =	shalt  }
0x7a: {  	_ =	shalt  }
0x7b: {  	_ =	shalt  }
0x7c: {  	_ =	shalt  }
0x7d: {  	_ =	shalt  }
0x7e: {  	_ =	shalt  }
0x7f: {  	_ =	shalt  }
0x80: {  	_ =	shalt  }
0x81: {  	_ =	shalt  }
0x82: {  	_ =	shalt  }
0x83: {  	_ =	shalt  }
0x84: {  	_ =	shalt  }
0x85: {  	_ =	shalt  }
0x86: {  	_ =	shalt  }
0x87: {  	_ =	shalt  }
.Lfunc_end0:
.L_simem_size_0:
called_computation.1_lowered:
.L_overlay_start_0:
0x88: {  	s2 =	sld [smem:$0x3FD9]  }
0x89: {  	s3 =	sld [smem:$0x3FFE];
	_ =	sdelay $0x1  }
0x8a: {  	s1 =	srdreg.scid  }
0x8b: {  	s0 =	sand.u32 $0x1, s1  }
0x8c: {  	s14 =	sshll.u32 s0, $0xA;
	s2 =	sadd.s32 s3, s2  }
0x8d: {  	s2 =	sadd.s32 s2, s14  }
0x8e: {  	[smem:$0x3FBA] =	sst s2  }
0x8f: {  	_ = 	snop  }
0x90: {  	s2 =	sld [smem:$0x3FD0];
	_ =	sdelay $0x2  }
0x91: {  	s15 =	simm.s32 $0xB;
	s4 =	simm.s32 $0x10  }
0x92: {  	[smem:s4], [sflag:s15] =	dma.local [hbm:s2], $0x1  }
0x93: {  	_ =	swait.eq [sflag:s15], $0x1  }
0x94: {  	[sflag:s15] =	ssyncset.done $0x0  }
0x95: {  	[sflag:s15] =	ssyncadd.s32 $0xFFFFFFFF  }
0x96: {  	s16 =	sld [smem:$0x10];
	(tm) =	ssettm $0x1  }
0x97: {  	s17 =	sld [smem:$0x3FFB];
	_ =	sdelay $0x3  }
0x98: {  	_ =	strace s17  }
0x99: {  	s3 =	sld [smem:$0x3FFC];
	_ =	sdelay $0x3  }
0x9a: {  	_ =	strace s3  }
0x9b: {  	s3 =	sld [smem:$0x3FFD];
	_ =	sdelay $0x3  }
0x9c: {  	_ =	strace s3  }
0x9d: {  	_ =	strace $0x8FFFFFFF  }
0x9e: {  	s18 =	sld [smem:$0x3FDB];
	_ =	sdelay $0x1  }
0x9f: {  	s19 =	simm.s32 $_scs_section_size  }
0xa0: {  	s5 =	simm.s32 $_size__tile_overlayer_lowered;
	s6 =	simm.s32 $_tile_overlayer_lowered  }
0xa1: {  	s22 =	simm.s32 $0x1BFF;
	s21 =	sshll.u32 s6, $0x1;
	s3 =	sadd.s32 s19, s18  }
0xa2: {  	s7 =	simm.s32 $0x0;
	s20 =	sshll.u32 s5, $0x1;
	s5 =	sadd.s32 s21, s3  }
0xa3: {  	[timem:s7], [sflag:s22] =	dma.local [hbm:s5], s20  }
0xa4: {  	_ =	swait.ge [sflag:s22], s20  }
0xa5: {  	s4 =	ssub.s32 $0x0, s20;
	[sflag:s22] =	ssyncset.done $0x0  }
0xa6: {  	[sflag:s22] =	ssyncadd.s32 s4;
	_ =	sdelay $0x1  }
0xa7: {  	s23 =	simm.s32 $0x1B8B  }
0xa8: {  	_ =	swait.ge [sflag:s23], $0x1  }
0xa9: {  	[sflag:s23] =	ssyncset.done $0x0  }
0xaa: {  	s25 =	simm.s32 $0x1B8E;
	s24 =	sld [smem:$0x3FFE];
	[sflag:s23] =	ssyncadd.s32 $0xFFFFFFFF  }
0xab: {  	s26 =	simm.s32 $execute0_lowered;
	[smem:$0x3FD2] =	sst s25  }
0xac: {  	s5 =	sshll.u32 s26, $0x1;
	_ =	strace $0x80000046;
	[dreg:$0x1] =	wrdreg $0xFFFFFFFF  }
0xad: {  	s28 =	simm.s32 $_size_execute0_lowered;
	s3 =	sadd.s32 s3, s5;
	[dreg:$0x0] =	wrdreg $0x0  }
0xae: {  	s5 =	sshll.u32 s28, $0x1;
	[dreg:$0x2] =	wrdreg s3  }
0xaf: {  	[dreg:$0x3] =	wrdreg s5  }
0xb0: {  	[dreg:$0x4] =	wrdreg $0xC0  }
0xb1: {  	_ =	task [dreg:s7], $0x5FFFF  }
0xb2: {  	[dreg:$0x1] =	wrdreg $0xFFFFFFFF  }
0xb3: {  	[dreg:$0x0] =	wrdreg $0x60  }
0xb4: {  	[dreg:$0x2] =	wrdreg s16  }
0xb5: {  	[dreg:$0x3] =	wrdreg s24  }
0xb6: {  	[dreg:$0x4] =	wrdreg $0xA  }
0xb7: {  	_ =	task.clear_ibuf [dreg:s7], $0x5FFFF;
	_ =	strace $0x90000046  }
0xb8: {  	s29 =	simm.s32 $0xA;
	_ =	strace $0x80000048  }
0xb9: {  	_ =	swait.ge [sflag:s29], $0x1  }
0xba: {  	[sflag:s29] =	ssyncadd.s32 $0xFFFFFFFF  }
0xbb: {  	_ =	strace $0x90000048  }
0xbc: {  	_ =	sfence  }
0xbd: {  	s30 =	sld [smem:$0x0];
	_ =	sdelay $0x2  }
0xbe: {  	s31 =	sshll.u32 s1, $0xD;
	s1 =	sshrl.u32 s1, $0x2  }
0xbf: {  	s3 =	sand.u32 $0x4000, s31;
	s1 =	sadd.s32 s1, s30  }
0xc0: {  	s0 =	sor.u32 s3, s0;
	s1 =	sshll.u32 s1, $0x11  }
0xc1: {  	s0 =	sor.u32 s1, s0  }
0xc2: {  	s0 =	sadd.s32 $0x8F2B, s0  }
0xc3: {  	[sflag:s0] =	ssyncadd.remote.s32 $0x1  }
0xc4: {  	_ =	sfence.sel $0xFFFF  }
0xc5: {  	[dreg:$0x0] =	wrdreg $0xFFFFFFFF;
	(pc) =	sbr.abs _section_cstart, $3  }
0xc6: {  	[dreg:$0x1] =	wrdreg $0xFFFFFFFF  }
0xc7: {  	_ =	task.clear_ibuf [dreg:s7], $0x2FFFF;
	_ =	strace $0x9FFFFFFF  }
0xc8: {  	(tm) =	ssettm $0x7FFFFFFF  }
0xc9: {  	_ =	shalt  }
tec
execute0_lowered:
.L_overlay_start_1:
0x0: {  	(tag) =	ssettag $0x1  }
0x1: {  	s25 =	rddreg [dreg:$0x0]  }
0x2: {  	s4 =	rddreg [dreg:$0x1];
	s3 =	simm.s32 $0x0  }
0x3: {  	s26 =	simm.s32 $0xCD80;
	[smem:$0x7FF] =	sst s3  }
0x4: {  	s12 =	sadd.s32 $0x100, s25;
	_ =	strace $0x80000047;
	[dreg:$0x4] =	wrdreg s26  }
0x5: {  	s11 =	simm.s32 $0xED80;
	[smem:$0x7E4] =	sst s12  }
0x6: {  	s13 =	simm.s32 $0xF580;
	[dreg:$0x8] =	wrdreg s11  }
0x7: {  	s14 =	simm.s32 $0xFD80;
	[dreg:$0x9] =	wrdreg s13  }
0x8: {  	s15 =	simm.s32 $0x10580;
	[dreg:$0xa] =	wrdreg s14  }
0x9: {  	s16 =	simm.s32 $0x10D80;
	[dreg:$0xb] =	wrdreg s15  }
0xa: {  	s17 =	simm.s32 $0x11580;
	[dreg:$0xc] =	wrdreg s16  }
0xb: {  	s18 =	simm.s32 $0x11D80;
	[dreg:$0xd] =	wrdreg s17  }
0xc: {  	s19 =	simm.s32 $0x12580;
	[dreg:$0xe] =	wrdreg s18  }
0xd: {  	s23 =	sadd.s32 $0x4800, s4;
	[dreg:$0xf] =	wrdreg s19  }
0xe: {  	s28 =	sadd.s32 $0x1400, s25;
	[dreg:$0x1c] =	wrdreg s23  }
0xf: {  	s0 =	srdreg.scid;
	s29 =	sadd.s32 $0x1300, s25;
	[smem:$0x7EA] =	sst s28  }
0x10: {  	s21 =	stileid.u32;
	s30 =	sadd.s32 $0x1500, s25;
	[smem:$0x7ED] =	sst s29  }
0x11: {  	s0 =	sand.u32 $0x1, s0;
	s31 =	sadd.s32 $0x800, s25;
	[smem:$0x7EE] =	sst s30  }
0x12: {  	s5 =	sshll.u32 s21, $0x1;
	s26 =	simm.s32 $0x14580;
	[smem:$0x7F0] =	sst s31  }
0x13: {  	s20 =	sor.u32 s0, s5;
	s5 =	simm.s32 $0x14D80;
	[dreg:$0x13] =	wrdreg s26  }
0x14: {  	s14 =	simm.s32 $0x15D80;
	[dreg:$0x14] =	wrdreg s5  }
0x15: {  	s15 =	simm.s32 $0x16580;
	[dreg:$0x16] =	wrdreg s14  }
0x16: {  	s12 =	sadd.s32 $0x700, s25;
	[dreg:$0x17] =	wrdreg s15  }
0x17: {  	s16 =	sadd.s32 $0xC00, s25;
	[smem:$0x7EB] =	sst s12  }
0x18: {  	s19 =	sadd.s32 $0xA00, s25;
	[smem:$0x7F1] =	sst s16  }
0x19: {  	s13 =	sadd.s32 $0xD00, s25;
	[smem:$0x7F2] =	sst s19  }
0x1a: {  	s17 =	sadd.s32 $0x900, s25;
	[smem:$0x7F3] =	sst s13  }
0x1b: {  	s18 =	sadd.s32 $0xB00, s25;
	[smem:$0x7F4] =	sst s17  }
0x1c: {  	s2 =	smul.u32 $0xFFFFFD10, s21;
	s11 =	sadd.s32 $0x600, s25;
	[smem:$0x7F5] =	sst s18  }
0x1d: {  	s1 =	smul.u32 $0xFFFFFE88, s0;
	s26 =	simm.s32 $0x16D80;
	[smem:$0x7FB] =	sst s11  }
0x1e: {  	s14 =	simm.s32 $0x17D80;
	[dreg:$0x18] =	wrdreg s26  }
0x1f: {  	s15 =	simm.s32 $0x18580;
	s1 =	sadd.s32 s2, s1;
	[dreg:$0x1a] =	wrdreg s14  }
0x20: {  	s2 =	smul.u32 $0x178, s20;
	s20 =	simm.s32 $0x12D80;
	[dreg:$0x1b] =	wrdreg s15  }
0x21: {  	s26 =	simm.s32 $0x0;
	[dreg:$0x10] =	wrdreg s20  }
0x22: {  	s6 =	ssub.s32 $0x2, s0;
	s14 =	sadd.s32 $0x1000, s25;
	[smem:$0x7E6] =	sst s26  }
0x23: {  	s8 =	sshrl.u32 s6, $0x1;
	s15 =	sadd.s32 $0x1600, s25;
	[smem:$0x7E7] =	sst s14  }
0x24: {  	s1 =	sadd.s32 $0x2EE0, s1;
	s20 =	sadd.s32 $0xE00, s25;
	[smem:$0x7FD] =	sst s15  }
0x25: {  	s1 =	smin.u32 s1, $0x178;
	s22 =	sshrl.u32 s2, $0x3;
	s2 =	ssub.s32 $0x2EE0, s2  }
0x26: {  	[smem:$0x7F8] =	sst s20;
	s1 =	sshrl.u32 s1, $0x3;
	s7 =	sadd.s32 s22, s4  }
0x27: {  	s2 =	smin.u32 s2, $0x178;
	s1 =	sadd.s32 $0xFFFFFFFF, s1;
	s10 =	sadd.s32 $0x4200, s7  }
0x28: {  	s7 =	sadd.s32 $0x200, s25;
	s9 =	sshrl.u32 s1, $0x1;
	[dreg:$0x1d] =	wrdreg s10  }
0x29: {  	s1 =	ssub.s32 s6, s8;
	s6 =	simm.s32 $0xD580;
	[smem:$0x7FC] =	sst s7  }
0x2a: {  	s2 =	sshrl.u32 s2, $0x3;
	s8 =	simm.s32 $0xDD80;
	[dreg:$0x5] =	wrdreg s6  }
0x2b: {  	s2 =	sadd.s32 s22, s2;
	s22 =	simm.s32 $0x13580;
	[dreg:$0x6] =	wrdreg s8  }
0x2c: {  	s10 =	sadd.s32 $0x500, s25;
	[dreg:$0x11] =	wrdreg s22  }
0x2d: {  	s24 =	ssub.s32 $0x0, s9;
	[smem:$0x7FA] =	sst s10  }
0x2e: {  	s9 =	simm.s32 $0xE580;
	[dreg:$0x3] =	wrdreg s24  }
0x2f: {  	s6 =	simm.s32 $0x15580;
	[dreg:$0x7] =	wrdreg s9  }
0x30: {  	s8 =	sadd.s32 $0x300, s25;
	[dreg:$0x15] =	wrdreg s6  }
0x31: {  	s22 =	sadd.s32 $0xF00, s25;
	[smem:$0x7EF] =	sst s8  }
0x32: {  	s24 =	simm.s32 $0x13D80;
	[smem:$0x7F9] =	sst s22  }
0x33: {  	s2 =	smul.u32 $0x1880, s2;
	s6 =	simm.s32 $0x17580;
	[dreg:$0x12] =	wrdreg s24  }
0x34: {  	s9 =	sadd.s32 $0x400, s25;
	[dreg:$0x19] =	wrdreg s6  }
0x35: {  	s2 =	sadd.s32 s23, s2;
	s23 =	smax.u32 s1, $0x1;
	[smem:$0x7F7] =	sst s9  }
0x36: {  	s0 =	smul.u32 $0x178, s0;
	s6 =	sadd.s32 $0x1800, s25;
	[smem:$0x7E5] =	sst s23  }
0x37: {  	s24 =	smul.u32 $0x2F0, s21;
	s21 =	sadd.s32 $0xFFFFE780, s2;
	[smem:$0x7E8] =	sst s6  }
0x38: {  	s23 =	sadd.s32 $0x1200, s25;
	[dreg:$0x1f] =	wrdreg s21  }
0x39: {  	s0 =	sadd.s32 s0, s24;
	[smem:$0x7E9] =	sst s23  }
0x3a: {  	v0 =	vlaneseq.u32;
	s24 =	sadd.s32 $0x1100, s25;
	[dreg:$0x1e] =	wrdreg s0  }
0x3b: {  	vm0 =	vmmov $0xff;
	v1 =	vshrl.u32 v0, $0x3;
	s5 =	simm.s32 $0x180;
	s0 =	sadd.s32 $0x1700, s25;
	[smem:$0x7F6] =	sst s24  }
0x3c: {  	vm1 =	vmmov $0xffff;
	v0 =	vand.u32 $0x7, v0;
	v1 =	vmul.u32 $0x8, v1;
	s1 =	simm.s32 $0x980;
	s21 =	simm.s32 $0x1180;
	[smem:$0x7EC] =	sst s0  }
.LBB2_1:
0x3d: {  	s4 =	rddreg [dreg:$0x1d];
	s2 =	simm.s32 $0x5  }
0x3e: {  	[tilespmem:s3], [sflag:$0x5] =	stream.linear.gather [hbm4b:s4+s3], $0x178, $0x38;
	[tilespmem:$0x18980] =	vst v63  }
0x3f: {  	_ =	swait.ge [sflag:s2], $0x178  }
0x40: {  	[sflag:s2] =	ssyncset.done $0x0  }
0x41: {  	[sflag:s2] =	ssyncadd.s32 $0xFFFFFE88  }
0x42: {  	v2 =	vld.msk [tilespmem:$0x0], $0xff;
	_ =	sdelay $0x4  }
0x43: {  	v3 =	vshrl.u32 v2, $0x3  }
0x44: {  	v3 =	vmul.u32 $0x188, v3  }
0x45: {  	v2 =	vand.u32 $0x7, v2  }
0x46: {  	v2 =	vor.u32 v2, v3  }
0x47: {  	v2 =	vperm.xlane v2, v0;
	_ =	sdelay $0x1  }
0x48: {  	v2 =	vadd.s32 v1, v2;
	_ =	sdelay $0x3  }
0x49: {  	s26 =	sld [smem:$0x7E4]  }
0x4a: {  	[tilespmem:s5], [sflag:$0x1] =	stream.indirect_vreg.gather [hbm4b:s25+s3], $0x80, v2, vm1, $0xb8;
	[tilespmem:$0x18980] =	vst v63  }
0x4b: {  	_ = 	snop  }
0x4c: {  	[tilespmem:s1], [sflag:$0x1] =	stream.indirect_vreg.gather [hbm4b:s26+s3], $0x80, v2, vm1, $0xb8;
	[tilespmem:$0x18980] =	vst v63  }
0x4d: {  	_ = 	snop  }
0x4e: {  	[tilespmem:s21], [sflag:$0x1] =	stream.indirect_vreg.gather [hbm4b:s7+s3], $0x80, v2, vm1, $0xb8;
	[tilespmem:$0x18980] =	vst v63  }
0x4f: {  	s2 =	simm.s32 $0x1980  }
0x50: {  	[tilespmem:s2], [sflag:$0x1] =	stream.indirect_vreg.gather [hbm4b:s8+s3], $0x80, v2, vm1, $0xb8;
	[tilespmem:$0x18980] =	vst v63  }
0x51: {  	s4 =	simm.s32 $0x2180  }
0x52: {  	[tilespmem:s4], [sflag:$0x1] =	stream.indirect_vreg.gather [hbm4b:s9+s3], $0x80, v2, vm1, $0xb8;
	[tilespmem:$0x18980] =	vst v63  }
0x53: {  	s5 =	simm.s32 $0x2980  }
0x54: {  	[tilespmem:s5], [sflag:$0x1] =	stream.indirect_vreg.gather [hbm4b:s10+s3], $0x80, v2, vm1, $0xb8;
	[tilespmem:$0x18980] =	vst v63  }
0x55: {  	s7 =	simm.s32 $0x3180  }
0x56: {  	[tilespmem:s7], [sflag:$0x1] =	stream.indirect_vreg.gather [hbm4b:s11+s3], $0x80, v2, vm1, $0xb8;
	[tilespmem:$0x18980] =	vst v63  }
0x57: {  	s8 =	simm.s32 $0x3980  }
0x58: {  	[tilespmem:s8], [sflag:$0x1] =	stream.indirect_vreg.gather [hbm4b:s12+s3], $0x80, v2, vm1, $0xb8;
	[tilespmem:$0x18980] =	vst v63  }
0x59: {  	s9 =	simm.s32 $0x4180  }
0x5a: {  	[tilespmem:s9], [sflag:$0x1] =	stream.indirect_vreg.gather [hbm4b:s31+s3], $0x80, v2, vm1, $0xb8;
	[tilespmem:$0x18980] =	vst v63  }
0x5b: {  	s10 =	simm.s32 $0x4980  }
0x5c: {  	[tilespmem:s10], [sflag:$0x1] =	stream.indirect_vreg.gather [hbm4b:s17+s3], $0x80, v2, vm1, $0xb8;
	[tilespmem:$0x18980] =	vst v63  }
0x5d: {  	s11 =	simm.s32 $0x5180  }
0x5e: {  	[tilespmem:s11], [sflag:$0x1] =	stream.indirect_vreg.gather [hbm4b:s19+s3], $0x80, v2, vm1, $0xb8;
	[tilespmem:$0x18980] =	vst v63  }
0x5f: {  	s12 =	simm.s32 $0x5980  }
0x60: {  	[tilespmem:s12], [sflag:$0x1] =	stream.indirect_vreg.gather [hbm4b:s18+s3], $0x80, v2, vm1, $0xb8;
	[tilespmem:$0x18980] =	vst v63  }
0x61: {  	s17 =	simm.s32 $0x6180  }
0x62: {  	[tilespmem:s17], [sflag:$0x1] =	stream.indirect_vreg.gather [hbm4b:s16+s3], $0x80, v2, vm1, $0xb8;
	[tilespmem:$0x18980] =	vst v63  }
0x63: {  	s18 =	simm.s32 $0x6980  }
0x64: {  	[tilespmem:s18], [sflag:$0x1] =	stream.indirect_vreg.gather [hbm4b:s13+s3], $0x80, v2, vm1, $0xb8;
	[tilespmem:$0x18980] =	vst v63  }
0x65: {  	s19 =	simm.s32 $0x7180  }
0x66: {  	[tilespmem:s19], [sflag:$0x1] =	stream.indirect_vreg.gather [hbm4b:s20+s3], $0x80, v2, vm1, $0xb8;
	[tilespmem:$0x18980] =	vst v63  }
0x67: {  	s20 =	simm.s32 $0x7980  }
0x68: {  	[tilespmem:s20], [sflag:$0x1] =	stream.indirect_vreg.gather [hbm4b:s22+s3], $0x80, v2, vm1, $0xb8;
	[tilespmem:$0x18980] =	vst v63  }
0x69: {  	s21 =	simm.s32 $0x8180  }
0x6a: {  	[tilespmem:s21], [sflag:$0x1] =	stream.indirect_vreg.gather [hbm4b:s14+s3], $0x80, v2, vm1, $0xb8;
	[tilespmem:$0x18980] =	vst v63  }
0x6b: {  	s22 =	simm.s32 $0x8980  }
0x6c: {  	[tilespmem:s22], [sflag:$0x1] =	stream.indirect_vreg.gather [hbm4b:s24+s3], $0x80, v2, vm1, $0xb8;
	[tilespmem:$0x18980] =	vst v63  }
0x6d: {  	s24 =	simm.s32 $0x9180  }
0x6e: {  	[tilespmem:s24], [sflag:$0x1] =	stream.indirect_vreg.gather [hbm4b:s23+s3], $0x80, v2, vm1, $0xb8;
	[tilespmem:$0x18980] =	vst v63  }
0x6f: {  	s25 =	simm.s32 $0x9980  }
0x70: {  	[tilespmem:s25], [sflag:$0x1] =	stream.indirect_vreg.gather [hbm4b:s29+s3], $0x80, v2, vm1, $0xb8;
	[tilespmem:$0x18980] =	vst v63  }
0x71: {  	s26 =	simm.s32 $0xA180  }
0x72: {  	[tilespmem:s26], [sflag:$0x1] =	stream.indirect_vreg.gather [hbm4b:s28+s3], $0x80, v2, vm1, $0xb8;
	[tilespmem:$0x18980] =	vst v63  }
0x73: {  	s28 =	simm.s32 $0xA980  }
0x74: {  	[tilespmem:s28], [sflag:$0x1] =	stream.indirect_vreg.gather [hbm4b:s30+s3], $0x80, v2, vm1, $0xb8;
	[tilespmem:$0x18980] =	vst v63  }
0x75: {  	s29 =	simm.s32 $0xB180  }
0x76: {  	[tilespmem:s29], [sflag:$0x1] =	stream.indirect_vreg.gather [hbm4b:s15+s3], $0x80, v2, vm1, $0xb8;
	[tilespmem:$0x18980] =	vst v63  }
0x77: {  	s4 =	simm.s32 $0x0;
	s30 =	simm.s32 $0xB980  }
0x78: {  	[tilespmem:s30], [sflag:$0x1] =	stream.indirect_vreg.gather [hbm4b:s0+s3], $0x80, v2, vm1, $0xb8;
	[tilespmem:$0x18980] =	vst v63  }
0x79: {  	s31 =	simm.s32 $0xC180;
	s21 =	simm.s32 $0x10;
	s25 =	rddreg [dreg:$0x1e]  }
0x7a: {  	[tilespmem:s31], [sflag:$0x1] =	stream.indirect_vreg.gather [hbm4b:s6+s3], $0x80, v2, vm0, $0xb8;
	[tilespmem:$0x18980] =	vst v63  }
.LBB2_2:
0x7b: {  	s0 =	simm.s32 $0x1  }
0x7c: {  	_ =	swait.ge [sflag:s0], $0xC400  }
0x7d: {  	p0 =	seq.s32 s4, $0x0;
	[sflag:s0] =	ssyncset.done $0x0  }
0x7e: {  	s6 =	simm.s32 @!p0 $0x4;
	[sflag:s0] =	ssyncadd.s32 $0xFFFF3C00  }
0x7f: {  	_ =	swait.ge @!p0 [sflag:s6], $0xC400  }
0x80: {  	[sflag:s6] =	ssyncset.done @!p0 $0x0  }
0x81: {  	[sflag:s6] =	ssyncadd.s32 @!p0 $0xFFFF3C00  }
0x82: {  	v2 =	vld.msk [tilespmem:s21+$0xFFFFFFF8], $0xff  }
0x83: {  	s11 =	rddreg [dreg:$0x4]  }
0x84: {  	s7 =	rddreg [dreg:$0x5]  }
0x85: {  	s14 =	rddreg [dreg:$0x6]  }
0x86: {  	s15 =	rddreg [dreg:$0x7]  }
0x87: {  	s2 =	sld [smem:$0x7EF];
	v3 =	vshrl.u32 v2, $0x3  }
0x88: {  	s16 =	rddreg [dreg:$0x8];
	v3 =	vmul.u32 $0x188, v3  }
0x89: {  	s17 =	rddreg [dreg:$0x9];
	v2 =	vand.u32 $0x7, v2  }
0x8a: {  	s18 =	rddreg [dreg:$0xa];
	v2 =	vor.u32 v2, v3  }
0x8b: {  	s19 =	rddreg [dreg:$0xb];
	v2 =	vperm.xlane v2, v0  }
0x8c: {  	s20 =	rddreg [dreg:$0xc]  }
0x8d: {  	s22 =	rddreg [dreg:$0xd];
	v2 =	vadd.s32 v1, v2  }
0x8e: {  	s23 =	rddreg [dreg:$0xe]  }
0x8f: {  	s24 =	sld [smem:$0x7F2]  }
0x90: {  	s26 =	rddreg [dreg:$0xf]  }
0x91: {  	s12 =	simm.s32 $0xC580;
	s13 =	rddreg [dreg:$0x0]  }
0x92: {  	[tilespmem:s12], [sflag:$0x2] =	stream.indirect_vreg.gather [hbm4b:s13+s3], $0x80, v2, vm1, $0xb8;
	[tilespmem:$0x18980] =	vst v63  }
0x93: {  	s13 =	sld [smem:$0x7E4]  }
0x94: {  	s28 =	rddreg [dreg:$0x10]  }
0x95: {  	s29 =	rddreg [dreg:$0x11]  }
0x96: {  	[tilespmem:s11], [sflag:$0x2] =	stream.indirect_vreg.gather [hbm4b:s13+s3], $0x80, v2, vm1, $0xb8;
	[tilespmem:$0x18980] =	vst v63  }
0x97: {  	s11 =	sld [smem:$0x7FC]  }
0x98: {  	s10 =	sld [smem:$0x7F3]  }
0x99: {  	s30 =	rddreg [dreg:$0x12]  }
0x9a: {  	[tilespmem:s7], [sflag:$0x2] =	stream.indirect_vreg.gather [hbm4b:s11+s3], $0x80, v2, vm1, $0xb8;
	[tilespmem:$0x18980] =	vst v63  }
0x9b: {  	s31 =	rddreg [dreg:$0x13]  }
0x9c: {  	[tilespmem:s14], [sflag:$0x2] =	stream.indirect_vreg.gather [hbm4b:s2+s3], $0x80, v2, vm1, $0xb8;
	[tilespmem:$0x18980] =	vst v63  }
0x9d: {  	s14 =	sld [smem:$0x7F7]  }
0x9e: {  	s0 =	rddreg [dreg:$0x14]  }
0x9f: {  	s1 =	sld [smem:$0x7E7]  }
0xa0: {  	[tilespmem:s15], [sflag:$0x2] =	stream.indirect_vreg.gather [hbm4b:s14+s3], $0x80, v2, vm1, $0xb8;
	[tilespmem:$0x18980] =	vst v63  }
0xa1: {  	s15 =	sld [smem:$0x7FA]  }
0xa2: {  	s5 =	rddreg [dreg:$0x15]  }
0xa3: {  	s13 =	sld [smem:$0x7FB]  }
0xa4: {  	[tilespmem:s16], [sflag:$0x2] =	stream.indirect_vreg.gather [hbm4b:s15+s3], $0x80, v2, vm1, $0xb8;
	[tilespmem:$0x18980] =	vst v63  }
0xa5: {  	s12 =	sld [smem:$0x7EB]  }
0xa6: {  	[tilespmem:s17], [sflag:$0x2] =	stream.indirect_vreg.gather [hbm4b:s13+s3], $0x80, v2, vm1, $0xb8;
	[tilespmem:$0x18980] =	vst v63  }
0xa7: {  	s16 =	sld [smem:$0x7F0]  }
0xa8: {  	[tilespmem:s18], [sflag:$0x2] =	stream.indirect_vreg.gather [hbm4b:s12+s3], $0x80, v2, vm1, $0xb8;
	[tilespmem:$0x18980] =	vst v63  }
0xa9: {  	s17 =	sld [smem:$0x7F4]  }
0xaa: {  	[tilespmem:s19], [sflag:$0x2] =	stream.indirect_vreg.gather [hbm4b:s16+s3], $0x80, v2, vm1, $0xb8;
	[tilespmem:$0x18980] =	vst v63  }
0xab: {  	s8 =	rddreg [dreg:$0x16]  }
0xac: {  	[tilespmem:s20], [sflag:$0x2] =	stream.indirect_vreg.gather [hbm4b:s17+s3], $0x80, v2, vm1, $0xb8;
	[tilespmem:$0x18980] =	vst v63  }
0xad: {  	s18 =	sld [smem:$0x7F5]  }
0xae: {  	[tilespmem:s22], [sflag:$0x2] =	stream.indirect_vreg.gather [hbm4b:s24+s3], $0x80, v2, vm1, $0xb8;
	[tilespmem:$0x18980] =	vst v63  }
0xaf: {  	s19 =	sld [smem:$0x7F1]  }
0xb0: {  	[tilespmem:s23], [sflag:$0x2] =	stream.indirect_vreg.gather [hbm4b:s18+s3], $0x80, v2, vm1, $0xb8;
	[tilespmem:$0x18980] =	vst v63  }
0xb1: {  	s9 =	rddreg [dreg:$0x17]  }
0xb2: {  	[tilespmem:s26], [sflag:$0x2] =	stream.indirect_vreg.gather [hbm4b:s19+s3], $0x80, v2, vm1, $0xb8;
	[tilespmem:$0x18980] =	vst v63  }
0xb3: {  	s20 =	sld [smem:$0x7F8]  }
0xb4: {  	[tilespmem:s28], [sflag:$0x2] =	stream.indirect_vreg.gather [hbm4b:s10+s3], $0x80, v2, vm1, $0xb8;
	[tilespmem:$0x18980] =	vst v63  }
0xb5: {  	s22 =	sld [smem:$0x7F9]  }
0xb6: {  	[tilespmem:s29], [sflag:$0x2] =	stream.indirect_vreg.gather [hbm4b:s20+s3], $0x80, v2, vm1, $0xb8;
	[tilespmem:$0x18980] =	vst v63  }
0xb7: {  	s23 =	rddreg [dreg:$0x18]  }
0xb8: {  	[tilespmem:s30], [sflag:$0x2] =	stream.indirect_vreg.gather [hbm4b:s22+s3], $0x80, v2, vm1, $0xb8;
	[tilespmem:$0x18980] =	vst v63  }
0xb9: {  	s26 =	sld [smem:$0x7F6]  }
0xba: {  	[tilespmem:s31], [sflag:$0x2] =	stream.indirect_vreg.gather [hbm4b:s1+s3], $0x80, v2, vm1, $0xb8;
	[tilespmem:$0x18980] =	vst v63  }
0xbb: {  	s28 =	sld [smem:$0x7E9]  }
0xbc: {  	[tilespmem:s0], [sflag:$0x2] =	stream.indirect_vreg.gather [hbm4b:s26+s3], $0x80, v2, vm1, $0xb8;
	[tilespmem:$0x18980] =	vst v63  }
0xbd: {  	s29 =	sld [smem:$0x7ED]  }
0xbe: {  	[tilespmem:s5], [sflag:$0x2] =	stream.indirect_vreg.gather [hbm4b:s28+s3], $0x80, v2, vm1, $0xb8;
	[tilespmem:$0x18980] =	vst v63  }
0xbf: {  	s30 =	sld [smem:$0x7EA]  }
0xc0: {  	[tilespmem:s8], [sflag:$0x2] =	stream.indirect_vreg.gather [hbm4b:s29+s3], $0x80, v2, vm1, $0xb8;
	[tilespmem:$0x18980] =	vst v63  }
0xc1: {  	s31 =	sld [smem:$0x7EE]  }
0xc2: {  	[tilespmem:s9], [sflag:$0x2] =	stream.indirect_vreg.gather [hbm4b:s30+s3], $0x80, v2, vm1, $0xb8;
	[tilespmem:$0x18980] =	vst v63  }
0xc3: {  	s9 =	sld [smem:$0x7FD]  }
0xc4: {  	[tilespmem:s23], [sflag:$0x2] =	stream.indirect_vreg.gather [hbm4b:s31+s3], $0x80, v2, vm1, $0xb8;
	[tilespmem:$0x18980] =	vst v63  }
0xc5: {  	s0 =	rddreg [dreg:$0x19]  }
0xc6: {  	[tilespmem:s0], [sflag:$0x2] =	stream.indirect_vreg.gather [hbm4b:s9+s3], $0x80, v2, vm1, $0xb8;
	[tilespmem:$0x18980] =	vst v63  }
0xc7: {  	s0 =	sld [smem:$0x7EC]  }
0xc8: {  	s5 =	rddreg [dreg:$0x1a];
	s23 =	sshrl.u32 s25, $0x3  }
0xc9: {  	s7 =	smul.u32 $0x1880, s23;
	s23 =	sld [smem:$0x7E8]  }
0xca: {  	[tilespmem:s5], [sflag:$0x2] =	stream.indirect_vreg.gather [hbm4b:s0+s3], $0x80, v2, vm1, $0xb8;
	[tilespmem:$0x18980] =	vst v63  }
0xcb: {  	s8 =	rddreg [dreg:$0x1b]  }
0xcc: {  	[tilespmem:s8], [sflag:$0x2] =	stream.indirect_vreg.gather [hbm4b:s23+s3], $0x80, v2, vm0, $0xb8;
	[tilespmem:$0x18980] =	vst v63  }
0xcd: {  	s8 =	rddreg [dreg:$0x1c]  }
0xce: {  	s5 =	sadd.s32 s8, s7;
	s7 =	simm.s32 $0x180  }
0xcf: {  	[hbm4b:s5+s3] =	stream.linear.scatter [tilespmem:s7], [sflag:$0x3], $0xC400, $0x38;
	[tilespmem:$0x18980] =	vst v63  }
0xd0: {  	s5 =	simm.s32 $0x2  }
0xd1: {  	_ =	swait.ge [sflag:s5], $0xC400  }
0xd2: {  	[sflag:s5] =	ssyncset.done $0x0  }
0xd3: {  	s6 =	simm.s32 $0x3;
	[sflag:s5] =	ssyncadd.s32 $0xFFFF3C00  }
0xd4: {  	_ =	swait.ge [sflag:s6], $0xC400  }
0xd5: {  	[sflag:s6] =	ssyncset.done $0x0  }
0xd6: {  	[sflag:s6] =	ssyncadd.s32 $0xFFFF3C00  }
0xd7: {  	v2 =	vld.msk [tilespmem:s21+$0x0], $0xff;
	_ =	sdelay $0x4  }
0xd8: {  	v3 =	vshrl.u32 v2, $0x3  }
0xd9: {  	v3 =	vmul.u32 $0x188, v3  }
0xda: {  	v2 =	vand.u32 $0x7, v2  }
0xdb: {  	v2 =	vor.u32 v2, v3  }
0xdc: {  	v2 =	vperm.xlane v2, v0;
	_ =	sdelay $0x1  }
0xdd: {  	v2 =	vadd.s32 v1, v2;
	_ =	sdelay $0x3  }
0xde: {  	s6 =	rddreg [dreg:$0x0]  }
0xdf: {  	[tilespmem:s7], [sflag:$0x1] =	stream.indirect_vreg.gather [hbm4b:s6+s3], $0x80, v2, vm1, $0xb8;
	[tilespmem:$0x18980] =	vst v63  }
0xe0: {  	s7 =	sld [smem:$0x7E4];
	_ =	sdelay $0x1  }
0xe1: {  	s6 =	simm.s32 $0x980  }
0xe2: {  	[tilespmem:s6], [sflag:$0x1] =	stream.indirect_vreg.gather [hbm4b:s7+s3], $0x80, v2, vm1, $0xb8;
	[tilespmem:$0x18980] =	vst v63  }
0xe3: {  	s7 =	simm.s32 $0x1180  }
0xe4: {  	[tilespmem:s7], [sflag:$0x1] =	stream.indirect_vreg.gather [hbm4b:s11+s3], $0x80, v2, vm1, $0xb8;
	[tilespmem:$0x18980] =	vst v63  }
0xe5: {  	s11 =	simm.s32 $0x1980  }
0xe6: {  	[tilespmem:s11], [sflag:$0x1] =	stream.indirect_vreg.gather [hbm4b:s2+s3], $0x80, v2, vm1, $0xb8;
	[tilespmem:$0x18980] =	vst v63  }
0xe7: {  	s2 =	simm.s32 $0x2180  }
0xe8: {  	[tilespmem:s2], [sflag:$0x1] =	stream.indirect_vreg.gather [hbm4b:s14+s3], $0x80, v2, vm1, $0xb8;
	[tilespmem:$0x18980] =	vst v63  }
0xe9: {  	s7 =	simm.s32 $0x2980  }
0xea: {  	[tilespmem:s7], [sflag:$0x1] =	stream.indirect_vreg.gather [hbm4b:s15+s3], $0x80, v2, vm1, $0xb8;
	[tilespmem:$0x18980] =	vst v63  }
0xeb: {  	s11 =	simm.s32 $0x3180  }
0xec: {  	[tilespmem:s11], [sflag:$0x1] =	stream.indirect_vreg.gather [hbm4b:s13+s3], $0x80, v2, vm1, $0xb8;
	[tilespmem:$0x18980] =	vst v63  }
0xed: {  	s14 =	simm.s32 $0x3980  }
0xee: {  	[tilespmem:s14], [sflag:$0x1] =	stream.indirect_vreg.gather [hbm4b:s12+s3], $0x80, v2, vm1, $0xb8;
	[tilespmem:$0x18980] =	vst v63  }
0xef: {  	s15 =	simm.s32 $0x4180  }
0xf0: {  	[tilespmem:s15], [sflag:$0x1] =	stream.indirect_vreg.gather [hbm4b:s16+s3], $0x80, v2, vm1, $0xb8;
	[tilespmem:$0x18980] =	vst v63  }
0xf1: {  	s6 =	simm.s32 $0x4980  }
0xf2: {  	[tilespmem:s6], [sflag:$0x1] =	stream.indirect_vreg.gather [hbm4b:s17+s3], $0x80, v2, vm1, $0xb8;
	[tilespmem:$0x18980] =	vst v63  }
0xf3: {  	s7 =	simm.s32 $0x5180  }
0xf4: {  	[tilespmem:s7], [sflag:$0x1] =	stream.indirect_vreg.gather [hbm4b:s24+s3], $0x80, v2, vm1, $0xb8;
	[tilespmem:$0x18980] =	vst v63  }
0xf5: {  	s11 =	simm.s32 $0x5980  }
0xf6: {  	[tilespmem:s11], [sflag:$0x1] =	stream.indirect_vreg.gather [hbm4b:s18+s3], $0x80, v2, vm1, $0xb8;
	[tilespmem:$0x18980] =	vst v63  }
0xf7: {  	s12 =	simm.s32 $0x6180  }
0xf8: {  	[tilespmem:s12], [sflag:$0x1] =	stream.indirect_vreg.gather [hbm4b:s19+s3], $0x80, v2, vm1, $0xb8;
	[tilespmem:$0x18980] =	vst v63  }
0xf9: {  	s13 =	simm.s32 $0x6980  }
0xfa: {  	[tilespmem:s13], [sflag:$0x1] =	stream.indirect_vreg.gather [hbm4b:s10+s3], $0x80, v2, vm1, $0xb8;
	[tilespmem:$0x18980] =	vst v63  }
0xfb: {  	s14 =	simm.s32 $0x7180  }
0xfc: {  	[tilespmem:s14], [sflag:$0x1] =	stream.indirect_vreg.gather [hbm4b:s20+s3], $0x80, v2, vm1, $0xb8;
	[tilespmem:$0x18980] =	vst v63  }
0xfd: {  	s15 =	simm.s32 $0x7980  }
0xfe: {  	[tilespmem:s15], [sflag:$0x1] =	stream.indirect_vreg.gather [hbm4b:s22+s3], $0x80, v2, vm1, $0xb8;
	[tilespmem:$0x18980] =	vst v63  }
0xff: {  	s16 =	simm.s32 $0x8180  }
0x100: {  	[tilespmem:s16], [sflag:$0x1] =	stream.indirect_vreg.gather [hbm4b:s1+s3], $0x80, v2, vm1, $0xb8;
	[tilespmem:$0x18980] =	vst v63  }
0x101: {  	s17 =	simm.s32 $0x8980  }
0x102: {  	[tilespmem:s17], [sflag:$0x1] =	stream.indirect_vreg.gather [hbm4b:s26+s3], $0x80, v2, vm1, $0xb8;
	[tilespmem:$0x18980] =	vst v63  }
0x103: {  	s18 =	simm.s32 $0x9180  }
0x104: {  	[tilespmem:s18], [sflag:$0x1] =	stream.indirect_vreg.gather [hbm4b:s28+s3], $0x80, v2, vm1, $0xb8;
	[tilespmem:$0x18980] =	vst v63  }
0x105: {  	s19 =	simm.s32 $0x9980  }
0x106: {  	[tilespmem:s19], [sflag:$0x1] =	stream.indirect_vreg.gather [hbm4b:s29+s3], $0x80, v2, vm1, $0xb8;
	[tilespmem:$0x18980] =	vst v63  }
0x107: {  	s20 =	simm.s32 $0xA180  }
0x108: {  	[tilespmem:s20], [sflag:$0x1] =	stream.indirect_vreg.gather [hbm4b:s30+s3], $0x80, v2, vm1, $0xb8;
	[tilespmem:$0x18980] =	vst v63  }
0x109: {  	s22 =	simm.s32 $0xA980  }
0x10a: {  	[tilespmem:s22], [sflag:$0x1] =	stream.indirect_vreg.gather [hbm4b:s31+s3], $0x80, v2, vm1, $0xb8;
	[tilespmem:$0x18980] =	vst v63  }
0x10b: {  	s4 =	sadd.s32 $0xFFFFFFFF, s4;
	s24 =	simm.s32 $0xB180;
	s30 =	rddreg [dreg:$0x3]  }
0x10c: {  	[tilespmem:s24], [sflag:$0x1] =	stream.indirect_vreg.gather [hbm4b:s9+s3], $0x80, v2, vm1, $0xb8;
	[tilespmem:$0x18980] =	vst v63  }
0x10d: {  	s26 =	simm.s32 $0xB980;
	s28 =	sadd.s32 $0x8, s25;
	p0 =	sne.s32 s30, s4  }
0x10e: {  	[tilespmem:s26], [sflag:$0x1] =	stream.indirect_vreg.gather [hbm4b:s0+s3], $0x80, v2, vm1, $0xb8;
	[tilespmem:$0x18980] =	vst v63  }
.Ltmp0:
0x10f: {  	s5 =	simm.s32 $0x180;
	s6 =	sshrl.u32 s28, $0x3;
	(pc) =	sbr.rel @p0 .LBB2_2-.Ltmp0, $4  }
0x110: {  	s21 =	sadd.s32 $0x10, s21;
	s6 =	smul.u32 $0x1880, s6;
	s29 =	simm.s32 $0xC180  }
0x111: {  	[tilespmem:s29], [sflag:$0x1] =	stream.indirect_vreg.gather [hbm4b:s23+s3], $0x80, v2, vm0, $0xb8;
	[tilespmem:$0x18980] =	vst v63  }
0x112: {  	s25 =	sadd.s32 $0x10, s25;
	s6 =	sadd.s32 s8, s6;
	s31 =	simm.s32 $0xC580  }
0x113: {  	[hbm4b:s6+s3] =	stream.linear.scatter [tilespmem:s31], [sflag:$0x4], $0xC400, $0x38;
	[tilespmem:$0x18980] =	vst v63  }
0x114: {  	s0 =	simm.s32 $0x1  }
0x115: {  	_ =	swait.ge [sflag:s0], $0xC400  }
0x116: {  	[sflag:s0] =	ssyncset.done $0x0  }
0x117: {  	s4 =	simm.s32 $0x4;
	[sflag:s0] =	ssyncadd.s32 $0xFFFF3C00  }
0x118: {  	_ =	swait.ge [sflag:s4], $0xC400  }
0x119: {  	[sflag:s4] =	ssyncset.done $0x0  }
0x11a: {  	s6 =	simm.s32 $0x3;
	s25 =	rddreg [dreg:$0x1f];
	[sflag:s4] =	ssyncadd.s32 $0xFFFF3C00  }
0x11b: {  	[hbm4b:s25+s3] =	stream.linear.scatter [tilespmem:s5], [sflag:$0x3], $0xC400, $0x38;
	[tilespmem:$0x18980] =	vst v63  }
0x11c: {  	_ =	swait.ge [sflag:s6], $0xC400  }
0x11d: {  	s7 =	sld [smem:$0x7E6]  }
0x11e: {  	s26 =	sld [smem:$0x7E5]  }
0x11f: {  	s8 =	sld [smem:$0x7EF]  }
0x120: {  	s9 =	sld [smem:$0x7F7]  }
0x121: {  	s10 =	sld [smem:$0x7FA]  }
0x122: {  	s11 =	sld [smem:$0x7FB]  }
0x123: {  	s12 =	sld [smem:$0x7EB]  }
0x124: {  	s31 =	sld [smem:$0x7F0]  }
0x125: {  	s17 =	sld [smem:$0x7F4]  }
0x126: {  	s19 =	sld [smem:$0x7F2]  }
0x127: {  	s18 =	sld [smem:$0x7F5]  }
0x128: {  	s16 =	sld [smem:$0x7F1]  }
0x129: {  	s13 =	sld [smem:$0x7F3]  }
0x12a: {  	s20 =	sld [smem:$0x7F8]  }
0x12b: {  	s22 =	sld [smem:$0x7F9]  }
0x12c: {  	s14 =	sld [smem:$0x7E7]  }
0x12d: {  	s24 =	sld [smem:$0x7F6]  }
0x12e: {  	s23 =	sld [smem:$0x7E9]  }
0x12f: {  	s29 =	sld [smem:$0x7ED]  }
0x130: {  	s28 =	sld [smem:$0x7EA]  }
0x131: {  	s30 =	sld [smem:$0x7EE];
	s7 =	sadd.s32 $0x1, s7  }
0x132: {  	s15 =	sld [smem:$0x7FD];
	p0 =	sne.s32 s7, s26  }
.Ltmp1:
0x133: {  	[sflag:s6] =	ssyncset.done $0x0;
	s0 =	sld [smem:$0x7EC];
	(pc) =	sbr.rel @p0 .LBB2_1-.Ltmp1, $4  }
0x134: {  	[sflag:s6] =	ssyncadd.s32 $0xFFFF3C00;
	s6 =	sld [smem:$0x7E8]  }
0x135: {  	s25 =	rddreg [dreg:$0x0]  }
0x136: {  	[smem:$0x7E6] =	sst s7  }
0x137: {  	s1 =	simm.s32 $0x980;
	s21 =	simm.s32 $0x1180;
	s7 =	sld [smem:$0x7FC]  }
0x138: {  	_ =	sfence.sel $0x180000  }
0x139: {  	[bflag:$0x0] =	sbarrier.arrive $0xFFFF  }
0x13a: {  	_ =	strace $0x90000047  }
0x13b: {  	s0 =	stileid.u32;
	[bflag:$0x2] =	sbarrier.arrive $0xFFFF  }
0x13c: {  	p0 =	sne.s32 s0, $0x0;
	s0 =	rddreg [dreg:$0x2]  }
0x13d: {  	s0 =	sadd.s32 @!p0 $0x100000, s0  }
0x13e: {  	[sflag:s0] =	ssyncadd.tile.s32 @!p0 $0x1;
	_ =	shalt  }
.Lfunc_end2:
_tile_overlayer_lowered:
.L_overlay_start_2:
0x13f: {  	(tag) =	ssettag $0x2  }
0x140: {  	s0 =	rddreg [dreg:$0x0];
	s2 =	stileid.u32  }
0x141: {  	s1 =	rddreg [dreg:$0x1];
	p0 =	sne.s32 s2, $0x0  }
0x142: {  	s3 =	rddreg [dreg:$0x2];
	[bflag:$0x3] =	sbarrier.arrive $0xFFFF;
	s2 =	simm.s32 @!p0 $0x1C05  }
0x143: {  	[timem:s3], [sflag:s2] =	dma.local @!p0 [hbm:s0], s1  }
0x144: {  	s0 =	simm.s32 @!p0 $0x5  }
0x145: {  	_ =	swait.ge @!p0 [sflag:s0], s1  }
0x146: {  	s1 =	ssub.s32 @!p0 $0x0, s1;
	[sflag:s0] =	ssyncset.done @!p0 $0x0  }
0x147: {  	[sflag:s0] =	ssyncadd.s32 @!p0 s1  }
0x148: {  	[bflag:$0x3] =	sbarrier.arrive $0xFFFF  }
0x149: {  	_ =	shalt  }

</sc_bundles>
